<compile_context>
chip_gen: v7x
topology: tpu7x:2x2x1
jax: 0.10.2.dev20260603
libtpu: 0.0.44.dev20260713+nightly
codegen_flags: <defaults>
</compile_context>

<pallas_src>
import jax
import jax.numpy as jnp
from jax import lax
from jax.experimental import pallas as pl
from jax.experimental.pallas import tpu as pltpu
from jax.experimental.pallas import tpu_sc as plsc

_H = 128
_NC = 2
_NS = 16
_NW = _NC * _NS
_CH = 128
_NBUF = 5
_GD = 3


def _lookup_body(ids_hbm, table_hbm, out_hbm, idx_v, rows_v,
                 sem_g0, sem_g1, sem_g2, sem_g3, sem_g4,
                 sem_o0, sem_o1, sem_o2, sem_o3, sem_o4):
    rows_total = ids_hbm.shape[0]
    rows_per_w = rows_total // _NW
    nchunks = rows_per_w
    wid = lax.axis_index("s") * _NC + lax.axis_index("c")
    row_base = wid * rows_per_w
    out_base = row_base * _CH

    sem_g = (sem_g0, sem_g1, sem_g2, sem_g3, sem_g4)
    sem_o = (sem_o0, sem_o1, sem_o2, sem_o3, sem_o4)

    def gather_copy(g, b):
        return pltpu.make_async_copy(
            table_hbm.at[idx_v.at[g]], rows_v.at[b], sem_g[b])

    def out_copy(g, b):
        return pltpu.make_async_copy(
            rows_v.at[b],
            out_hbm.at[pl.ds(out_base + g * _CH, _CH)], sem_o[b])

    pltpu.sync_copy(ids_hbm.at[pl.ds(row_base, rows_per_w)], idx_v)
    for p in range(_GD - 1):
        gather_copy(p, p).start()

    ahead = _GD - 1

    @pl.loop(0, nchunks, step=_NBUF)
    def _(gg):
        for b in range(_NBUF):
            g = gg + b
            nb = (b + ahead) % _NBUF

            @pl.when(g >= _NBUF - ahead)
            def _():
                out_copy(g - (_NBUF - ahead), nb).wait()

            @pl.when(g + ahead < nchunks)
            def _():
                gather_copy(g + ahead, nb).start()

            gather_copy(g, b).wait()
            out_copy(g, b).start()

    for t in range(_NBUF - ahead, 0, -1):
        out_copy(nchunks - t, (nchunks - t) % _NBUF).wait()


def kernel(input_ids, W_orig, W_special, W_prompt_prefix):
    batch, seq = input_ids.shape
    n = batch * seq
    table = jnp.concatenate([W_orig, W_special, W_prompt_prefix], axis=0)
    ids2 = input_ids.reshape(n // 128, 128)
    rows_per_w = (n // 128) // _NW

    mesh = plsc.VectorSubcoreMesh(core_axis_name="c", subcore_axis_name="s",
                                  num_cores=_NC, num_subcores=_NS)
    run = pl.kernel(
        _lookup_body,
        out_type=jax.ShapeDtypeStruct((n, _H), jnp.float32),
        mesh=mesh,
        scratch_types=[
            pltpu.VMEM((rows_per_w, 128), jnp.int32),
            pltpu.VMEM((_NBUF, _CH, _H), jnp.float32),
            pltpu.SemaphoreType.DMA,
            pltpu.SemaphoreType.DMA,
            pltpu.SemaphoreType.DMA,
            pltpu.SemaphoreType.DMA,
            pltpu.SemaphoreType.DMA,
            pltpu.SemaphoreType.DMA,
            pltpu.SemaphoreType.DMA,
            pltpu.SemaphoreType.DMA,
            pltpu.SemaphoreType.DMA,
            pltpu.SemaphoreType.DMA,
        ],
    )
    out = run(ids2, table)
    return out.reshape(batch, seq, _H)

# --- scband reference (transcript-rebuilt; emitter-appended) ---
"""Pipeline reference for scband-split-token-embeddings-86157043958336 (READ-ONLY COPY).

The authoritative reference and input builder live on the scoring server;
editing this copy changes nothing except your own understanding.
"""

import jax, jax.numpy as jnp
import numpy as np

SPLIT_ORDER = ("orig", "special", "prompt_prefix")
SPLIT_SIZES = {"orig": 100000, "special": 1000, "prompt_prefix": 4096}
HIDDEN = 128
BATCH = 4096
SEQ = 200


def _build_token_start_end_indices():
    offset = 0
    starts = {}
    ends = {}
    for split in SPLIT_ORDER:
        size = SPLIT_SIZES[split]
        starts[split] = offset
        ends[split] = offset + size
        offset += size
    return starts, ends


def setup_inputs(seed: int = 0) -> dict:
    key = jax.random.key(seed)
    k_ids, k_o, k_s, k_p = jax.random.split(key, 4)
    total_vocab = sum(SPLIT_SIZES.values())
    input_ids = jax.random.randint(k_ids, (BATCH, SEQ), 0, total_vocab, dtype=jnp.int32)
    W_orig = jax.random.normal(k_o, (SPLIT_SIZES["orig"], HIDDEN), dtype=jnp.float32)
    W_special = jax.random.normal(k_s, (SPLIT_SIZES["special"], HIDDEN), dtype=jnp.float32)
    W_prompt_prefix = jax.random.normal(k_p, (SPLIT_SIZES["prompt_prefix"], HIDDEN), dtype=jnp.float32)
    return {"input_ids": input_ids, "W_orig": W_orig, "W_special": W_special, "W_prompt_prefix": W_prompt_prefix}


def reference(input_ids, W_orig, W_special, W_prompt_prefix):
    tables = {"orig": W_orig, "special": W_special, "prompt_prefix": W_prompt_prefix}
    starts, ends = _build_token_start_end_indices()
    embed = jnp.zeros((input_ids.shape[0], input_ids.shape[1], HIDDEN), dtype=W_orig.dtype)
    for split in SPLIT_ORDER:
        s, e = starts[split], ends[split]
        is_split_mask = (input_ids >= s) & (input_ids < e)
        # local indices into this split's table; out-of-range positions clipped
        # (their gathered rows are discarded by the mask, matching the torch
        # boolean-mask routing semantics exactly)
        local_idx = jnp.clip(input_ids - s, 0, SPLIT_SIZES[split] - 1)
        gathered = jnp.take(tables[split], local_idx, axis=0)
        embed = jnp.where(is_split_mask[..., None], gathered, embed)
    return embed

if __name__ == "__main__":
    import jax
    _d = setup_inputs()
    print(jax.jit(kernel)(*tuple(_d.values())))

</pallas_src>

<mosaic_0001>
#map = affine_map<(d0, d1) -> (0, 0)>
module attributes {stable_mosaic.version = 14 : i64} {
  func.func @_lookup_body(%arg0: i32, %arg1: i32, %arg2: memref<6400x128xi32, #tpu.memory_space<hbm>>, %arg3: memref<105096x128xf32, #tpu.memory_space<hbm>>, %arg4: memref<819200x128xf32, #tpu.memory_space<hbm>>, %arg5: memref<200x128xi32, #tpu.memory_space<vmem>>, %arg6: memref<5x128x128xf32, #tpu.memory_space<vmem>>, %arg7: memref<!tpu.dma_semaphore, #tpu.memory_space<semaphore_mem>>, %arg8: memref<!tpu.dma_semaphore, #tpu.memory_space<semaphore_mem>>, %arg9: memref<!tpu.dma_semaphore, #tpu.memory_space<semaphore_mem>>, %arg10: memref<!tpu.dma_semaphore, #tpu.memory_space<semaphore_mem>>, %arg11: memref<!tpu.dma_semaphore, #tpu.memory_space<semaphore_mem>>, %arg12: memref<!tpu.dma_semaphore, #tpu.memory_space<semaphore_mem>>, %arg13: memref<!tpu.dma_semaphore, #tpu.memory_space<semaphore_mem>>, %arg14: memref<!tpu.dma_semaphore, #tpu.memory_space<semaphore_mem>>, %arg15: memref<!tpu.dma_semaphore, #tpu.memory_space<semaphore_mem>>, %arg16: memref<!tpu.dma_semaphore, #tpu.memory_space<semaphore_mem>>) attributes {dimension_semantics = [#tpu.dimension_semantics<core_parallel>, #tpu.dimension_semantics<subcore_parallel>], iteration_bounds = array<i64: 2, 16>, scalar_prefetch = 0 : i64, scratch_operands = 12 : i64, tpu.core_type = #tpu.core_type<sc_vector_subcore>, window_params = [{transform_indices = #map}, {transform_indices = #map}, {transform_indices = #map}]} {
    %mul3A = arith.constant 2 : i32
    %mul3A_0 = arith.muli %arg1, %mul3A : i32
    %add3A = arith.addi %mul3A_0, %arg0 : i32
    %mul3A_1 = arith.constant 200 : i32
    %mul3A_2 = arith.muli %add3A, %mul3A_1 : i32
    %mul3A_3 = arith.constant 128 : i32
    %mul3A_4 = arith.muli %mul3A_2, %mul3A_3 : i32
    "tpu.region"() ({
      %run_scoped3A = tpu.sem_alloc : memref<!tpu.dma_semaphore, #tpu.memory_space<semaphore_mem>>
      %dma_start3A_76 = arith.constant 0 : i32
      %dma_start3A_77 = tpu.memref_slice %arg2[%mul3A_2, %dma_start3A_76] : memref<6400x128xi32, #tpu.memory_space<hbm>> -> memref<200x128xi32, #tpu.memory_space<hbm>>
      %dma_start3A_78 = arith.constant 0 : i32
      %dma_start3A_79 = tpu.memref_slice %arg2[%mul3A_2, %dma_start3A_78] : memref<6400x128xi32, #tpu.memory_space<hbm>> -> memref<200x128xi32, #tpu.memory_space<hbm>>
      tpu.enqueue_dma source(%dma_start3A_79 : memref<200x128xi32, #tpu.memory_space<hbm>>) target(%arg5 : memref<200x128xi32, #tpu.memory_space<vmem>>) target_semaphore(%run_scoped3A : memref<!tpu.dma_semaphore, #tpu.memory_space<semaphore_mem>>)
      %dma_wait3A_80 = arith.constant 0 : i32
      %dma_wait3A_81 = tpu.memref_slice %arg2[%mul3A_2, %dma_wait3A_80] : memref<6400x128xi32, #tpu.memory_space<hbm>> -> memref<200x128xi32, #tpu.memory_space<hbm>>
      %dma_wait3A_82 = arith.constant 0 : i32
      %dma_wait3A_83 = tpu.memref_slice %arg2[%mul3A_2, %dma_wait3A_82] : memref<6400x128xi32, #tpu.memory_space<hbm>> -> memref<200x128xi32, #tpu.memory_space<hbm>>
      tpu.wait_dma2 semaphore(%run_scoped3A : memref<!tpu.dma_semaphore, #tpu.memory_space<semaphore_mem>>) src(%dma_wait3A_83 : memref<200x128xi32, #tpu.memory_space<hbm>>) dst(%arg5 : memref<200x128xi32, #tpu.memory_space<vmem>>)
      tpu.yield
    }) : () -> ()
    %dma_start3A = arith.constant 0 : i32
    %dma_start3A_5 = arith.constant 0 : i32
    %dma_start3A_6 = arith.constant 0 : i32
    %dma_start3A_7 = arith.constant 0 : i32
    %dma_start3A_8 = tpu.memref_slice %arg6[%dma_start3A_5, %dma_start3A_6, %dma_start3A_7] : memref<5x128x128xf32, #tpu.memory_space<vmem>> -> memref<1x128x128xf32, #tpu.memory_space<vmem>>
    %dma_start3A_9 = tpu.memref_squeeze %dma_start3A_8 : memref<1x128x128xf32, #tpu.memory_space<vmem>> -> memref<128x128xf32, #tpu.memory_space<vmem>>
    %dma_start3A_10 = arith.constant 0 : i32
    %dma_start3A_11 = tpu.memref_slice %arg5[%dma_start3A, %dma_start3A_10] : memref<200x128xi32, #tpu.memory_space<vmem>> -> memref<1x128xi32, #tpu.memory_space<vmem>>
    %dma_start3A_12 = tpu.memref_squeeze %dma_start3A_11 : memref<1x128xi32, #tpu.memory_space<vmem>> -> memref<128xi32, #tpu.memory_space<vmem>>
    %dma_start3A_13 = arith.constant 0 : i32
    %dma_start3A_14 = arith.constant 0 : i32
    %dma_start3A_15 = tpu.memref_slice %arg3[%dma_start3A_13, %dma_start3A_14] : memref<105096x128xf32, #tpu.memory_space<hbm>> -> memref<105096x128xf32, #tpu.memory_space<hbm>>
    tpu.enqueue_indirect_dma source(%dma_start3A_15 : memref<105096x128xf32, #tpu.memory_space<hbm>>) target(%dma_start3A_9 : memref<128x128xf32, #tpu.memory_space<vmem>>) offsets(%dma_start3A_12 : memref<128xi32, #tpu.memory_space<vmem>>) semaphore(%arg7 : memref<!tpu.dma_semaphore, #tpu.memory_space<semaphore_mem>>)
    %dma_start3A_16 = arith.constant 1 : i32
    %dma_start3A_17 = arith.constant 1 : i32
    %dma_start3A_18 = arith.constant 0 : i32
    %dma_start3A_19 = arith.constant 0 : i32
    %dma_start3A_20 = tpu.memref_slice %arg6[%dma_start3A_17, %dma_start3A_18, %dma_start3A_19] : memref<5x128x128xf32, #tpu.memory_space<vmem>> -> memref<1x128x128xf32, #tpu.memory_space<vmem>>
    %dma_start3A_21 = tpu.memref_squeeze %dma_start3A_20 : memref<1x128x128xf32, #tpu.memory_space<vmem>> -> memref<128x128xf32, #tpu.memory_space<vmem>>
    %dma_start3A_22 = arith.constant 0 : i32
    %dma_start3A_23 = tpu.memref_slice %arg5[%dma_start3A_16, %dma_start3A_22] : memref<200x128xi32, #tpu.memory_space<vmem>> -> memref<1x128xi32, #tpu.memory_space<vmem>>
    %dma_start3A_24 = tpu.memref_squeeze %dma_start3A_23 : memref<1x128xi32, #tpu.memory_space<vmem>> -> memref<128xi32, #tpu.memory_space<vmem>>
    %dma_start3A_25 = arith.constant 0 : i32
    %dma_start3A_26 = arith.constant 0 : i32
    %dma_start3A_27 = tpu.memref_slice %arg3[%dma_start3A_25, %dma_start3A_26] : memref<105096x128xf32, #tpu.memory_space<hbm>> -> memref<105096x128xf32, #tpu.memory_space<hbm>>
    tpu.enqueue_indirect_dma source(%dma_start3A_27 : memref<105096x128xf32, #tpu.memory_space<hbm>>) target(%dma_start3A_21 : memref<128x128xf32, #tpu.memory_space<vmem>>) offsets(%dma_start3A_24 : memref<128xi32, #tpu.memory_space<vmem>>) semaphore(%arg8 : memref<!tpu.dma_semaphore, #tpu.memory_space<semaphore_mem>>)
    %scan3A = arith.constant 0 : i32
    %scan3A_28 = arith.constant 40 : i32
    %scan3A_29 = arith.addi %scan3A, %scan3A_28 : i32
    %scan3A_30 = arith.constant 1 : i32
    scf.for %scan3A_76 = %scan3A to %scan3A_29 step %scan3A_30  : i32 {
      %mul3A_77 = arith.constant 5 : i32
      %mul3A_78 = arith.muli %scan3A_76, %mul3A_77 : i32
      %add3A_79 = arith.constant 0 : i32
      %add3A_80 = arith.addi %add3A_79, %mul3A_78 : i32
      %add3A_81 = arith.constant 0 : i32
      %add3A_82 = arith.addi %add3A_80, %add3A_81 : i32
      %ge3A = arith.constant 3 : i32
      %ge3A_83 = arith.cmpi sge, %add3A_82, %ge3A : i32
      %convert_element_type3A = arith.extui %ge3A_83 : i1 to i32
      %cond3A = arith.constant 0 : i32
      %cond3A_84 = arith.cmpi ne, %convert_element_type3A, %cond3A : i32
      scf.if %cond3A_84 {
        %sub3A = arith.constant 3 : i32
        %sub3A_282 = arith.subi %add3A_82, %sub3A : i32
        %mul3A_283 = arith.constant 128 : i32
        %mul3A_284 = arith.muli %sub3A_282, %mul3A_283 : i32
        %add3A_285 = arith.addi %mul3A_4, %mul3A_284 : i32
        %dma_wait3A_286 = arith.constant 2 : i32
        %dma_wait3A_287 = arith.constant 0 : i32
        %dma_wait3A_288 = arith.constant 0 : i32
        %dma_wait3A_289 = tpu.memref_slice %arg6[%dma_wait3A_286, %dma_wait3A_287, %dma_wait3A_288] : memref<5x128x128xf32, #tpu.memory_space<vmem>> -> memref<1x128x128xf32, #tpu.memory_space<vmem>>
        %dma_wait3A_290 = tpu.memref_squeeze %dma_wait3A_289 : memref<1x128x128xf32, #tpu.memory_space<vmem>> -> memref<128x128xf32, #tpu.memory_space<vmem>>
        %dma_wait3A_291 = arith.constant 0 : i32
        %dma_wait3A_292 = tpu.memref_slice %arg4[%add3A_285, %dma_wait3A_291] : memref<819200x128xf32, #tpu.memory_space<hbm>> -> memref<128x128xf32, #tpu.memory_space<hbm>>
        %dma_wait3A_293 = arith.constant 0 : i32
        %dma_wait3A_294 = tpu.memref_slice %arg4[%add3A_285, %dma_wait3A_293] : memref<819200x128xf32, #tpu.memory_space<hbm>> -> memref<128x128xf32, #tpu.memory_space<hbm>>
        %dma_wait3A_295 = arith.constant 0 : i32
        %dma_wait3A_296 = arith.constant 0 : i32
        %dma_wait3A_297 = tpu.memref_slice %arg6[%dma_wait3A_286, %dma_wait3A_295, %dma_wait3A_296] : memref<5x128x128xf32, #tpu.memory_space<vmem>> -> memref<1x128x128xf32, #tpu.memory_space<vmem>>
        %dma_wait3A_298 = tpu.memref_squeeze %dma_wait3A_297 : memref<1x128x128xf32, #tpu.memory_space<vmem>> -> memref<128x128xf32, #tpu.memory_space<vmem>>
        tpu.wait_dma2 semaphore(%arg14 : memref<!tpu.dma_semaphore, #tpu.memory_space<semaphore_mem>>) src(%dma_wait3A_298 : memref<128x128xf32, #tpu.memory_space<vmem>>) dst(%dma_wait3A_294 : memref<128x128xf32, #tpu.memory_space<hbm>>)
      } else {
      }
      %add3A_85 = arith.constant 2 : i32
      %add3A_86 = arith.addi %add3A_82, %add3A_85 : i32
      %lt3A = arith.constant 200 : i32
      %lt3A_87 = arith.cmpi slt, %add3A_86, %lt3A : i32
      %convert_element_type3A_88 = arith.extui %lt3A_87 : i1 to i32
      %cond3A_89 = arith.constant 0 : i32
      %cond3A_90 = arith.cmpi ne, %convert_element_type3A_88, %cond3A_89 : i32
      scf.if %cond3A_90 {
        %add3A_282 = arith.constant 2 : i32
        %add3A_283 = arith.addi %add3A_82, %add3A_282 : i32
        %dma_start3A_284 = arith.constant 2 : i32
        %dma_start3A_285 = arith.constant 0 : i32
        %dma_start3A_286 = arith.constant 0 : i32
        %dma_start3A_287 = tpu.memref_slice %arg6[%dma_start3A_284, %dma_start3A_285, %dma_start3A_286] : memref<5x128x128xf32, #tpu.memory_space<vmem>> -> memref<1x128x128xf32, #tpu.memory_space<vmem>>
        %dma_start3A_288 = tpu.memref_squeeze %dma_start3A_287 : memref<1x128x128xf32, #tpu.memory_space<vmem>> -> memref<128x128xf32, #tpu.memory_space<vmem>>
        %dma_start3A_289 = arith.constant 0 : i32
        %dma_start3A_290 = tpu.memref_slice %arg5[%add3A_283, %dma_start3A_289] : memref<200x128xi32, #tpu.memory_space<vmem>> -> memref<1x128xi32, #tpu.memory_space<vmem>>
        %dma_start3A_291 = tpu.memref_squeeze %dma_start3A_290 : memref<1x128xi32, #tpu.memory_space<vmem>> -> memref<128xi32, #tpu.memory_space<vmem>>
        %dma_start3A_292 = arith.constant 0 : i32
        %dma_start3A_293 = arith.constant 0 : i32
        %dma_start3A_294 = tpu.memref_slice %arg3[%dma_start3A_292, %dma_start3A_293] : memref<105096x128xf32, #tpu.memory_space<hbm>> -> memref<105096x128xf32, #tpu.memory_space<hbm>>
        tpu.enqueue_indirect_dma source(%dma_start3A_294 : memref<105096x128xf32, #tpu.memory_space<hbm>>) target(%dma_start3A_288 : memref<128x128xf32, #tpu.memory_space<vmem>>) offsets(%dma_start3A_291 : memref<128xi32, #tpu.memory_space<vmem>>) semaphore(%arg9 : memref<!tpu.dma_semaphore, #tpu.memory_space<semaphore_mem>>)
      } else {
      }
      %dma_wait3A_91 = arith.constant 0 : i32
      %dma_wait3A_92 = arith.constant 0 : i32
      %dma_wait3A_93 = arith.constant 0 : i32
      %dma_wait3A_94 = tpu.memref_slice %arg6[%dma_wait3A_91, %dma_wait3A_92, %dma_wait3A_93] : memref<5x128x128xf32, #tpu.memory_space<vmem>> -> memref<1x128x128xf32, #tpu.memory_space<vmem>>
      %dma_wait3A_95 = tpu.memref_squeeze %dma_wait3A_94 : memref<1x128x128xf32, #tpu.memory_space<vmem>> -> memref<128x128xf32, #tpu.memory_space<vmem>>
      %dma_wait3A_96 = arith.constant 0 : i32
      %dma_wait3A_97 = tpu.memref_slice %arg5[%add3A_82, %dma_wait3A_96] : memref<200x128xi32, #tpu.memory_space<vmem>> -> memref<1x128xi32, #tpu.memory_space<vmem>>
      %dma_wait3A_98 = tpu.memref_squeeze %dma_wait3A_97 : memref<1x128xi32, #tpu.memory_space<vmem>> -> memref<128xi32, #tpu.memory_space<vmem>>
      %dma_wait3A_99 = arith.constant 0 : i32
      %dma_wait3A_100 = arith.constant 0 : i32
      %dma_wait3A_101 = tpu.memref_slice %arg3[%dma_wait3A_99, %dma_wait3A_100] : memref<105096x128xf32, #tpu.memory_space<hbm>> -> memref<105096x128xf32, #tpu.memory_space<hbm>>
      tpu.wait_indirect_dma semaphore(%arg7 : memref<!tpu.dma_semaphore, #tpu.memory_space<semaphore_mem>>) src(%dma_wait3A_101 : memref<105096x128xf32, #tpu.memory_space<hbm>>) dst(%dma_wait3A_95 : memref<128x128xf32, #tpu.memory_space<vmem>>)
      %mul3A_102 = arith.constant 128 : i32
      %mul3A_103 = arith.muli %add3A_82, %mul3A_102 : i32
      %add3A_104 = arith.addi %mul3A_4, %mul3A_103 : i32
      %dma_start3A_105 = arith.constant 0 : i32
      %dma_start3A_106 = arith.constant 0 : i32
      %dma_start3A_107 = arith.constant 0 : i32
      %dma_start3A_108 = tpu.memref_slice %arg6[%dma_start3A_105, %dma_start3A_106, %dma_start3A_107] : memref<5x128x128xf32, #tpu.memory_space<vmem>> -> memref<1x128x128xf32, #tpu.memory_space<vmem>>
      %dma_start3A_109 = tpu.memref_squeeze %dma_start3A_108 : memref<1x128x128xf32, #tpu.memory_space<vmem>> -> memref<128x128xf32, #tpu.memory_space<vmem>>
      %dma_start3A_110 = arith.constant 0 : i32
      %dma_start3A_111 = tpu.memref_slice %arg4[%add3A_104, %dma_start3A_110] : memref<819200x128xf32, #tpu.memory_space<hbm>> -> memref<128x128xf32, #tpu.memory_space<hbm>>
      %dma_start3A_112 = arith.constant 0 : i32
      %dma_start3A_113 = tpu.memref_slice %arg4[%add3A_104, %dma_start3A_112] : memref<819200x128xf32, #tpu.memory_space<hbm>> -> memref<128x128xf32, #tpu.memory_space<hbm>>
      %dma_start3A_114 = arith.constant 0 : i32
      %dma_start3A_115 = arith.constant 0 : i32
      %dma_start3A_116 = tpu.memref_slice %arg6[%dma_start3A_105, %dma_start3A_114, %dma_start3A_115] : memref<5x128x128xf32, #tpu.memory_space<vmem>> -> memref<1x128x128xf32, #tpu.memory_space<vmem>>
      %dma_start3A_117 = tpu.memref_squeeze %dma_start3A_116 : memref<1x128x128xf32, #tpu.memory_space<vmem>> -> memref<128x128xf32, #tpu.memory_space<vmem>>
      tpu.enqueue_dma source(%dma_start3A_117 : memref<128x128xf32, #tpu.memory_space<vmem>>) target(%dma_start3A_113 : memref<128x128xf32, #tpu.memory_space<hbm>>) target_semaphore(%arg12 : memref<!tpu.dma_semaphore, #tpu.memory_space<semaphore_mem>>)
      %add3A_118 = arith.constant 1 : i32
      %add3A_119 = arith.addi %add3A_80, %add3A_118 : i32
      %ge3A_120 = arith.constant 3 : i32
      %ge3A_121 = arith.cmpi sge, %add3A_119, %ge3A_120 : i32
      %convert_element_type3A_122 = arith.extui %ge3A_121 : i1 to i32
      %cond3A_123 = arith.constant 0 : i32
      %cond3A_124 = arith.cmpi ne, %convert_element_type3A_122, %cond3A_123 : i32
      scf.if %cond3A_124 {
        %sub3A = arith.constant 3 : i32
        %sub3A_282 = arith.subi %add3A_119, %sub3A : i32
        %mul3A_283 = arith.constant 128 : i32
        %mul3A_284 = arith.muli %sub3A_282, %mul3A_283 : i32
        %add3A_285 = arith.addi %mul3A_4, %mul3A_284 : i32
        %dma_wait3A_286 = arith.constant 3 : i32
        %dma_wait3A_287 = arith.constant 0 : i32
        %dma_wait3A_288 = arith.constant 0 : i32
        %dma_wait3A_289 = tpu.memref_slice %arg6[%dma_wait3A_286, %dma_wait3A_287, %dma_wait3A_288] : memref<5x128x128xf32, #tpu.memory_space<vmem>> -> memref<1x128x128xf32, #tpu.memory_space<vmem>>
        %dma_wait3A_290 = tpu.memref_squeeze %dma_wait3A_289 : memref<1x128x128xf32, #tpu.memory_space<vmem>> -> memref<128x128xf32, #tpu.memory_space<vmem>>
        %dma_wait3A_291 = arith.constant 0 : i32
        %dma_wait3A_292 = tpu.memref_slice %arg4[%add3A_285, %dma_wait3A_291] : memref<819200x128xf32, #tpu.memory_space<hbm>> -> memref<128x128xf32, #tpu.memory_space<hbm>>
        %dma_wait3A_293 = arith.constant 0 : i32
        %dma_wait3A_294 = tpu.memref_slice %arg4[%add3A_285, %dma_wait3A_293] : memref<819200x128xf32, #tpu.memory_space<hbm>> -> memref<128x128xf32, #tpu.memory_space<hbm>>
        %dma_wait3A_295 = arith.constant 0 : i32
        %dma_wait3A_296 = arith.constant 0 : i32
        %dma_wait3A_297 = tpu.memref_slice %arg6[%dma_wait3A_286, %dma_wait3A_295, %dma_wait3A_296] : memref<5x128x128xf32, #tpu.memory_space<vmem>> -> memref<1x128x128xf32, #tpu.memory_space<vmem>>
        %dma_wait3A_298 = tpu.memref_squeeze %dma_wait3A_297 : memref<1x128x128xf32, #tpu.memory_space<vmem>> -> memref<128x128xf32, #tpu.memory_space<vmem>>
        tpu.wait_dma2 semaphore(%arg15 : memref<!tpu.dma_semaphore, #tpu.memory_space<semaphore_mem>>) src(%dma_wait3A_298 : memref<128x128xf32, #tpu.memory_space<vmem>>) dst(%dma_wait3A_294 : memref<128x128xf32, #tpu.memory_space<hbm>>)
      } else {
      }
      %add3A_125 = arith.constant 2 : i32
      %add3A_126 = arith.addi %add3A_119, %add3A_125 : i32
      %lt3A_127 = arith.constant 200 : i32
      %lt3A_128 = arith.cmpi slt, %add3A_126, %lt3A_127 : i32
      %convert_element_type3A_129 = arith.extui %lt3A_128 : i1 to i32
      %cond3A_130 = arith.constant 0 : i32
      %cond3A_131 = arith.cmpi ne, %convert_element_type3A_129, %cond3A_130 : i32
      scf.if %cond3A_131 {
        %add3A_282 = arith.constant 2 : i32
        %add3A_283 = arith.addi %add3A_119, %add3A_282 : i32
        %dma_start3A_284 = arith.constant 3 : i32
        %dma_start3A_285 = arith.constant 0 : i32
        %dma_start3A_286 = arith.constant 0 : i32
        %dma_start3A_287 = tpu.memref_slice %arg6[%dma_start3A_284, %dma_start3A_285, %dma_start3A_286] : memref<5x128x128xf32, #tpu.memory_space<vmem>> -> memref<1x128x128xf32, #tpu.memory_space<vmem>>
        %dma_start3A_288 = tpu.memref_squeeze %dma_start3A_287 : memref<1x128x128xf32, #tpu.memory_space<vmem>> -> memref<128x128xf32, #tpu.memory_space<vmem>>
        %dma_start3A_289 = arith.constant 0 : i32
        %dma_start3A_290 = tpu.memref_slice %arg5[%add3A_283, %dma_start3A_289] : memref<200x128xi32, #tpu.memory_space<vmem>> -> memref<1x128xi32, #tpu.memory_space<vmem>>
        %dma_start3A_291 = tpu.memref_squeeze %dma_start3A_290 : memref<1x128xi32, #tpu.memory_space<vmem>> -> memref<128xi32, #tpu.memory_space<vmem>>
        %dma_start3A_292 = arith.constant 0 : i32
        %dma_start3A_293 = arith.constant 0 : i32
        %dma_start3A_294 = tpu.memref_slice %arg3[%dma_start3A_292, %dma_start3A_293] : memref<105096x128xf32, #tpu.memory_space<hbm>> -> memref<105096x128xf32, #tpu.memory_space<hbm>>
        tpu.enqueue_indirect_dma source(%dma_start3A_294 : memref<105096x128xf32, #tpu.memory_space<hbm>>) target(%dma_start3A_288 : memref<128x128xf32, #tpu.memory_space<vmem>>) offsets(%dma_start3A_291 : memref<128xi32, #tpu.memory_space<vmem>>) semaphore(%arg10 : memref<!tpu.dma_semaphore, #tpu.memory_space<semaphore_mem>>)
      } else {
      }
      %dma_wait3A_132 = arith.constant 1 : i32
      %dma_wait3A_133 = arith.constant 0 : i32
      %dma_wait3A_134 = arith.constant 0 : i32
      %dma_wait3A_135 = tpu.memref_slice %arg6[%dma_wait3A_132, %dma_wait3A_133, %dma_wait3A_134] : memref<5x128x128xf32, #tpu.memory_space<vmem>> -> memref<1x128x128xf32, #tpu.memory_space<vmem>>
      %dma_wait3A_136 = tpu.memref_squeeze %dma_wait3A_135 : memref<1x128x128xf32, #tpu.memory_space<vmem>> -> memref<128x128xf32, #tpu.memory_space<vmem>>
      %dma_wait3A_137 = arith.constant 0 : i32
      %dma_wait3A_138 = tpu.memref_slice %arg5[%add3A_119, %dma_wait3A_137] : memref<200x128xi32, #tpu.memory_space<vmem>> -> memref<1x128xi32, #tpu.memory_space<vmem>>
      %dma_wait3A_139 = tpu.memref_squeeze %dma_wait3A_138 : memref<1x128xi32, #tpu.memory_space<vmem>> -> memref<128xi32, #tpu.memory_space<vmem>>
      %dma_wait3A_140 = arith.constant 0 : i32
      %dma_wait3A_141 = arith.constant 0 : i32
      %dma_wait3A_142 = tpu.memref_slice %arg3[%dma_wait3A_140, %dma_wait3A_141] : memref<105096x128xf32, #tpu.memory_space<hbm>> -> memref<105096x128xf32, #tpu.memory_space<hbm>>
      tpu.wait_indirect_dma semaphore(%arg8 : memref<!tpu.dma_semaphore, #tpu.memory_space<semaphore_mem>>) src(%dma_wait3A_142 : memref<105096x128xf32, #tpu.memory_space<hbm>>) dst(%dma_wait3A_136 : memref<128x128xf32, #tpu.memory_space<vmem>>)
      %mul3A_143 = arith.constant 128 : i32
      %mul3A_144 = arith.muli %add3A_119, %mul3A_143 : i32
      %add3A_145 = arith.addi %mul3A_4, %mul3A_144 : i32
      %dma_start3A_146 = arith.constant 1 : i32
      %dma_start3A_147 = arith.constant 0 : i32
      %dma_start3A_148 = arith.constant 0 : i32
      %dma_start3A_149 = tpu.memref_slice %arg6[%dma_start3A_146, %dma_start3A_147, %dma_start3A_148] : memref<5x128x128xf32, #tpu.memory_space<vmem>> -> memref<1x128x128xf32, #tpu.memory_space<vmem>>
      %dma_start3A_150 = tpu.memref_squeeze %dma_start3A_149 : memref<1x128x128xf32, #tpu.memory_space<vmem>> -> memref<128x128xf32, #tpu.memory_space<vmem>>
      %dma_start3A_151 = arith.constant 0 : i32
      %dma_start3A_152 = tpu.memref_slice %arg4[%add3A_145, %dma_start3A_151] : memref<819200x128xf32, #tpu.memory_space<hbm>> -> memref<128x128xf32, #tpu.memory_space<hbm>>
      %dma_start3A_153 = arith.constant 0 : i32
      %dma_start3A_154 = tpu.memref_slice %arg4[%add3A_145, %dma_start3A_153] : memref<819200x128xf32, #tpu.memory_space<hbm>> -> memref<128x128xf32, #tpu.memory_space<hbm>>
      %dma_start3A_155 = arith.constant 0 : i32
      %dma_start3A_156 = arith.constant 0 : i32
      %dma_start3A_157 = tpu.memref_slice %arg6[%dma_start3A_146, %dma_start3A_155, %dma_start3A_156] : memref<5x128x128xf32, #tpu.memory_space<vmem>> -> memref<1x128x128xf32, #tpu.memory_space<vmem>>
      %dma_start3A_158 = tpu.memref_squeeze %dma_start3A_157 : memref<1x128x128xf32, #tpu.memory_space<vmem>> -> memref<128x128xf32, #tpu.memory_space<vmem>>
      tpu.enqueue_dma source(%dma_start3A_158 : memref<128x128xf32, #tpu.memory_space<vmem>>) target(%dma_start3A_154 : memref<128x128xf32, #tpu.memory_space<hbm>>) target_semaphore(%arg13 : memref<!tpu.dma_semaphore, #tpu.memory_space<semaphore_mem>>)
      %add3A_159 = arith.constant 2 : i32
      %add3A_160 = arith.addi %add3A_80, %add3A_159 : i32
      %ge3A_161 = arith.constant 3 : i32
      %ge3A_162 = arith.cmpi sge, %add3A_160, %ge3A_161 : i32
      %convert_element_type3A_163 = arith.extui %ge3A_162 : i1 to i32
      %cond3A_164 = arith.constant 0 : i32
      %cond3A_165 = arith.cmpi ne, %convert_element_type3A_163, %cond3A_164 : i32
      scf.if %cond3A_165 {
        %sub3A = arith.constant 3 : i32
        %sub3A_282 = arith.subi %add3A_160, %sub3A : i32
        %mul3A_283 = arith.constant 128 : i32
        %mul3A_284 = arith.muli %sub3A_282, %mul3A_283 : i32
        %add3A_285 = arith.addi %mul3A_4, %mul3A_284 : i32
        %dma_wait3A_286 = arith.constant 4 : i32
        %dma_wait3A_287 = arith.constant 0 : i32
        %dma_wait3A_288 = arith.constant 0 : i32
        %dma_wait3A_289 = tpu.memref_slice %arg6[%dma_wait3A_286, %dma_wait3A_287, %dma_wait3A_288] : memref<5x128x128xf32, #tpu.memory_space<vmem>> -> memref<1x128x128xf32, #tpu.memory_space<vmem>>
        %dma_wait3A_290 = tpu.memref_squeeze %dma_wait3A_289 : memref<1x128x128xf32, #tpu.memory_space<vmem>> -> memref<128x128xf32, #tpu.memory_space<vmem>>
        %dma_wait3A_291 = arith.constant 0 : i32
        %dma_wait3A_292 = tpu.memref_slice %arg4[%add3A_285, %dma_wait3A_291] : memref<819200x128xf32, #tpu.memory_space<hbm>> -> memref<128x128xf32, #tpu.memory_space<hbm>>
        %dma_wait3A_293 = arith.constant 0 : i32
        %dma_wait3A_294 = tpu.memref_slice %arg4[%add3A_285, %dma_wait3A_293] : memref<819200x128xf32, #tpu.memory_space<hbm>> -> memref<128x128xf32, #tpu.memory_space<hbm>>
        %dma_wait3A_295 = arith.constant 0 : i32
        %dma_wait3A_296 = arith.constant 0 : i32
        %dma_wait3A_297 = tpu.memref_slice %arg6[%dma_wait3A_286, %dma_wait3A_295, %dma_wait3A_296] : memref<5x128x128xf32, #tpu.memory_space<vmem>> -> memref<1x128x128xf32, #tpu.memory_space<vmem>>
        %dma_wait3A_298 = tpu.memref_squeeze %dma_wait3A_297 : memref<1x128x128xf32, #tpu.memory_space<vmem>> -> memref<128x128xf32, #tpu.memory_space<vmem>>
        tpu.wait_dma2 semaphore(%arg16 : memref<!tpu.dma_semaphore, #tpu.memory_space<semaphore_mem>>) src(%dma_wait3A_298 : memref<128x128xf32, #tpu.memory_space<vmem>>) dst(%dma_wait3A_294 : memref<128x128xf32, #tpu.memory_space<hbm>>)
      } else {
      }
      %add3A_166 = arith.constant 2 : i32
      %add3A_167 = arith.addi %add3A_160, %add3A_166 : i32
      %lt3A_168 = arith.constant 200 : i32
      %lt3A_169 = arith.cmpi slt, %add3A_167, %lt3A_168 : i32
      %convert_element_type3A_170 = arith.extui %lt3A_169 : i1 to i32
      %cond3A_171 = arith.constant 0 : i32
      %cond3A_172 = arith.cmpi ne, %convert_element_type3A_170, %cond3A_171 : i32
      scf.if %cond3A_172 {
        %add3A_282 = arith.constant 2 : i32
        %add3A_283 = arith.addi %add3A_160, %add3A_282 : i32
        %dma_start3A_284 = arith.constant 4 : i32
        %dma_start3A_285 = arith.constant 0 : i32
        %dma_start3A_286 = arith.constant 0 : i32
        %dma_start3A_287 = tpu.memref_slice %arg6[%dma_start3A_284, %dma_start3A_285, %dma_start3A_286] : memref<5x128x128xf32, #tpu.memory_space<vmem>> -> memref<1x128x128xf32, #tpu.memory_space<vmem>>
        %dma_start3A_288 = tpu.memref_squeeze %dma_start3A_287 : memref<1x128x128xf32, #tpu.memory_space<vmem>> -> memref<128x128xf32, #tpu.memory_space<vmem>>
        %dma_start3A_289 = arith.constant 0 : i32
        %dma_start3A_290 = tpu.memref_slice %arg5[%add3A_283, %dma_start3A_289] : memref<200x128xi32, #tpu.memory_space<vmem>> -> memref<1x128xi32, #tpu.memory_space<vmem>>
        %dma_start3A_291 = tpu.memref_squeeze %dma_start3A_290 : memref<1x128xi32, #tpu.memory_space<vmem>> -> memref<128xi32, #tpu.memory_space<vmem>>
        %dma_start3A_292 = arith.constant 0 : i32
        %dma_start3A_293 = arith.constant 0 : i32
        %dma_start3A_294 = tpu.memref_slice %arg3[%dma_start3A_292, %dma_start3A_293] : memref<105096x128xf32, #tpu.memory_space<hbm>> -> memref<105096x128xf32, #tpu.memory_space<hbm>>
        tpu.enqueue_indirect_dma source(%dma_start3A_294 : memref<105096x128xf32, #tpu.memory_space<hbm>>) target(%dma_start3A_288 : memref<128x128xf32, #tpu.memory_space<vmem>>) offsets(%dma_start3A_291 : memref<128xi32, #tpu.memory_space<vmem>>) semaphore(%arg11 : memref<!tpu.dma_semaphore, #tpu.memory_space<semaphore_mem>>)
      } else {
      }
      %dma_wait3A_173 = arith.constant 2 : i32
      %dma_wait3A_174 = arith.constant 0 : i32
      %dma_wait3A_175 = arith.constant 0 : i32
      %dma_wait3A_176 = tpu.memref_slice %arg6[%dma_wait3A_173, %dma_wait3A_174, %dma_wait3A_175] : memref<5x128x128xf32, #tpu.memory_space<vmem>> -> memref<1x128x128xf32, #tpu.memory_space<vmem>>
      %dma_wait3A_177 = tpu.memref_squeeze %dma_wait3A_176 : memref<1x128x128xf32, #tpu.memory_space<vmem>> -> memref<128x128xf32, #tpu.memory_space<vmem>>
      %dma_wait3A_178 = arith.constant 0 : i32
      %dma_wait3A_179 = tpu.memref_slice %arg5[%add3A_160, %dma_wait3A_178] : memref<200x128xi32, #tpu.memory_space<vmem>> -> memref<1x128xi32, #tpu.memory_space<vmem>>
      %dma_wait3A_180 = tpu.memref_squeeze %dma_wait3A_179 : memref<1x128xi32, #tpu.memory_space<vmem>> -> memref<128xi32, #tpu.memory_space<vmem>>
      %dma_wait3A_181 = arith.constant 0 : i32
      %dma_wait3A_182 = arith.constant 0 : i32
      %dma_wait3A_183 = tpu.memref_slice %arg3[%dma_wait3A_181, %dma_wait3A_182] : memref<105096x128xf32, #tpu.memory_space<hbm>> -> memref<105096x128xf32, #tpu.memory_space<hbm>>
      tpu.wait_indirect_dma semaphore(%arg9 : memref<!tpu.dma_semaphore, #tpu.memory_space<semaphore_mem>>) src(%dma_wait3A_183 : memref<105096x128xf32, #tpu.memory_space<hbm>>) dst(%dma_wait3A_177 : memref<128x128xf32, #tpu.memory_space<vmem>>)
      %mul3A_184 = arith.constant 128 : i32
      %mul3A_185 = arith.muli %add3A_160, %mul3A_184 : i32
      %add3A_186 = arith.addi %mul3A_4, %mul3A_185 : i32
      %dma_start3A_187 = arith.constant 2 : i32
      %dma_start3A_188 = arith.constant 0 : i32
      %dma_start3A_189 = arith.constant 0 : i32
      %dma_start3A_190 = tpu.memref_slice %arg6[%dma_start3A_187, %dma_start3A_188, %dma_start3A_189] : memref<5x128x128xf32, #tpu.memory_space<vmem>> -> memref<1x128x128xf32, #tpu.memory_space<vmem>>
      %dma_start3A_191 = tpu.memref_squeeze %dma_start3A_190 : memref<1x128x128xf32, #tpu.memory_space<vmem>> -> memref<128x128xf32, #tpu.memory_space<vmem>>
      %dma_start3A_192 = arith.constant 0 : i32
      %dma_start3A_193 = tpu.memref_slice %arg4[%add3A_186, %dma_start3A_192] : memref<819200x128xf32, #tpu.memory_space<hbm>> -> memref<128x128xf32, #tpu.memory_space<hbm>>
      %dma_start3A_194 = arith.constant 0 : i32
      %dma_start3A_195 = tpu.memref_slice %arg4[%add3A_186, %dma_start3A_194] : memref<819200x128xf32, #tpu.memory_space<hbm>> -> memref<128x128xf32, #tpu.memory_space<hbm>>
      %dma_start3A_196 = arith.constant 0 : i32
      %dma_start3A_197 = arith.constant 0 : i32
      %dma_start3A_198 = tpu.memref_slice %arg6[%dma_start3A_187, %dma_start3A_196, %dma_start3A_197] : memref<5x128x128xf32, #tpu.memory_space<vmem>> -> memref<1x128x128xf32, #tpu.memory_space<vmem>>
      %dma_start3A_199 = tpu.memref_squeeze %dma_start3A_198 : memref<1x128x128xf32, #tpu.memory_space<vmem>> -> memref<128x128xf32, #tpu.memory_space<vmem>>
      tpu.enqueue_dma source(%dma_start3A_199 : memref<128x128xf32, #tpu.memory_space<vmem>>) target(%dma_start3A_195 : memref<128x128xf32, #tpu.memory_space<hbm>>) target_semaphore(%arg14 : memref<!tpu.dma_semaphore, #tpu.memory_space<semaphore_mem>>)
      %add3A_200 = arith.constant 3 : i32
      %add3A_201 = arith.addi %add3A_80, %add3A_200 : i32
      %ge3A_202 = arith.constant 3 : i32
      %ge3A_203 = arith.cmpi sge, %add3A_201, %ge3A_202 : i32
      %convert_element_type3A_204 = arith.extui %ge3A_203 : i1 to i32
      %cond3A_205 = arith.constant 0 : i32
      %cond3A_206 = arith.cmpi ne, %convert_element_type3A_204, %cond3A_205 : i32
      scf.if %cond3A_206 {
        %sub3A = arith.constant 3 : i32
        %sub3A_282 = arith.subi %add3A_201, %sub3A : i32
        %mul3A_283 = arith.constant 128 : i32
        %mul3A_284 = arith.muli %sub3A_282, %mul3A_283 : i32
        %add3A_285 = arith.addi %mul3A_4, %mul3A_284 : i32
        %dma_wait3A_286 = arith.constant 0 : i32
        %dma_wait3A_287 = arith.constant 0 : i32
        %dma_wait3A_288 = arith.constant 0 : i32
        %dma_wait3A_289 = tpu.memref_slice %arg6[%dma_wait3A_286, %dma_wait3A_287, %dma_wait3A_288] : memref<5x128x128xf32, #tpu.memory_space<vmem>> -> memref<1x128x128xf32, #tpu.memory_space<vmem>>
        %dma_wait3A_290 = tpu.memref_squeeze %dma_wait3A_289 : memref<1x128x128xf32, #tpu.memory_space<vmem>> -> memref<128x128xf32, #tpu.memory_space<vmem>>
        %dma_wait3A_291 = arith.constant 0 : i32
        %dma_wait3A_292 = tpu.memref_slice %arg4[%add3A_285, %dma_wait3A_291] : memref<819200x128xf32, #tpu.memory_space<hbm>> -> memref<128x128xf32, #tpu.memory_space<hbm>>
        %dma_wait3A_293 = arith.constant 0 : i32
        %dma_wait3A_294 = tpu.memref_slice %arg4[%add3A_285, %dma_wait3A_293] : memref<819200x128xf32, #tpu.memory_space<hbm>> -> memref<128x128xf32, #tpu.memory_space<hbm>>
        %dma_wait3A_295 = arith.constant 0 : i32
        %dma_wait3A_296 = arith.constant 0 : i32
        %dma_wait3A_297 = tpu.memref_slice %arg6[%dma_wait3A_286, %dma_wait3A_295, %dma_wait3A_296] : memref<5x128x128xf32, #tpu.memory_space<vmem>> -> memref<1x128x128xf32, #tpu.memory_space<vmem>>
        %dma_wait3A_298 = tpu.memref_squeeze %dma_wait3A_297 : memref<1x128x128xf32, #tpu.memory_space<vmem>> -> memref<128x128xf32, #tpu.memory_space<vmem>>
        tpu.wait_dma2 semaphore(%arg12 : memref<!tpu.dma_semaphore, #tpu.memory_space<semaphore_mem>>) src(%dma_wait3A_298 : memref<128x128xf32, #tpu.memory_space<vmem>>) dst(%dma_wait3A_294 : memref<128x128xf32, #tpu.memory_space<hbm>>)
      } else {
      }
      %add3A_207 = arith.constant 2 : i32
      %add3A_208 = arith.addi %add3A_201, %add3A_207 : i32
      %lt3A_209 = arith.constant 200 : i32
      %lt3A_210 = arith.cmpi slt, %add3A_208, %lt3A_209 : i32
      %convert_element_type3A_211 = arith.extui %lt3A_210 : i1 to i32
      %cond3A_212 = arith.constant 0 : i32
      %cond3A_213 = arith.cmpi ne, %convert_element_type3A_211, %cond3A_212 : i32
      scf.if %cond3A_213 {
        %add3A_282 = arith.constant 2 : i32
        %add3A_283 = arith.addi %add3A_201, %add3A_282 : i32
        %dma_start3A_284 = arith.constant 0 : i32
        %dma_start3A_285 = arith.constant 0 : i32
        %dma_start3A_286 = arith.constant 0 : i32
        %dma_start3A_287 = tpu.memref_slice %arg6[%dma_start3A_284, %dma_start3A_285, %dma_start3A_286] : memref<5x128x128xf32, #tpu.memory_space<vmem>> -> memref<1x128x128xf32, #tpu.memory_space<vmem>>
        %dma_start3A_288 = tpu.memref_squeeze %dma_start3A_287 : memref<1x128x128xf32, #tpu.memory_space<vmem>> -> memref<128x128xf32, #tpu.memory_space<vmem>>
        %dma_start3A_289 = arith.constant 0 : i32
        %dma_start3A_290 = tpu.memref_slice %arg5[%add3A_283, %dma_start3A_289] : memref<200x128xi32, #tpu.memory_space<vmem>> -> memref<1x128xi32, #tpu.memory_space<vmem>>
        %dma_start3A_291 = tpu.memref_squeeze %dma_start3A_290 : memref<1x128xi32, #tpu.memory_space<vmem>> -> memref<128xi32, #tpu.memory_space<vmem>>
        %dma_start3A_292 = arith.constant 0 : i32
        %dma_start3A_293 = arith.constant 0 : i32
        %dma_start3A_294 = tpu.memref_slice %arg3[%dma_start3A_292, %dma_start3A_293] : memref<105096x128xf32, #tpu.memory_space<hbm>> -> memref<105096x128xf32, #tpu.memory_space<hbm>>
        tpu.enqueue_indirect_dma source(%dma_start3A_294 : memref<105096x128xf32, #tpu.memory_space<hbm>>) target(%dma_start3A_288 : memref<128x128xf32, #tpu.memory_space<vmem>>) offsets(%dma_start3A_291 : memref<128xi32, #tpu.memory_space<vmem>>) semaphore(%arg7 : memref<!tpu.dma_semaphore, #tpu.memory_space<semaphore_mem>>)
      } else {
      }
      %dma_wait3A_214 = arith.constant 3 : i32
      %dma_wait3A_215 = arith.constant 0 : i32
      %dma_wait3A_216 = arith.constant 0 : i32
      %dma_wait3A_217 = tpu.memref_slice %arg6[%dma_wait3A_214, %dma_wait3A_215, %dma_wait3A_216] : memref<5x128x128xf32, #tpu.memory_space<vmem>> -> memref<1x128x128xf32, #tpu.memory_space<vmem>>
      %dma_wait3A_218 = tpu.memref_squeeze %dma_wait3A_217 : memref<1x128x128xf32, #tpu.memory_space<vmem>> -> memref<128x128xf32, #tpu.memory_space<vmem>>
      %dma_wait3A_219 = arith.constant 0 : i32
      %dma_wait3A_220 = tpu.memref_slice %arg5[%add3A_201, %dma_wait3A_219] : memref<200x128xi32, #tpu.memory_space<vmem>> -> memref<1x128xi32, #tpu.memory_space<vmem>>
      %dma_wait3A_221 = tpu.memref_squeeze %dma_wait3A_220 : memref<1x128xi32, #tpu.memory_space<vmem>> -> memref<128xi32, #tpu.memory_space<vmem>>
      %dma_wait3A_222 = arith.constant 0 : i32
      %dma_wait3A_223 = arith.constant 0 : i32
      %dma_wait3A_224 = tpu.memref_slice %arg3[%dma_wait3A_222, %dma_wait3A_223] : memref<105096x128xf32, #tpu.memory_space<hbm>> -> memref<105096x128xf32, #tpu.memory_space<hbm>>
      tpu.wait_indirect_dma semaphore(%arg10 : memref<!tpu.dma_semaphore, #tpu.memory_space<semaphore_mem>>) src(%dma_wait3A_224 : memref<105096x128xf32, #tpu.memory_space<hbm>>) dst(%dma_wait3A_218 : memref<128x128xf32, #tpu.memory_space<vmem>>)
      %mul3A_225 = arith.constant 128 : i32
      %mul3A_226 = arith.muli %add3A_201, %mul3A_225 : i32
      %add3A_227 = arith.addi %mul3A_4, %mul3A_226 : i32
      %dma_start3A_228 = arith.constant 3 : i32
      %dma_start3A_229 = arith.constant 0 : i32
      %dma_start3A_230 = arith.constant 0 : i32
      %dma_start3A_231 = tpu.memref_slice %arg6[%dma_start3A_228, %dma_start3A_229, %dma_start3A_230] : memref<5x128x128xf32, #tpu.memory_space<vmem>> -> memref<1x128x128xf32, #tpu.memory_space<vmem>>
      %dma_start3A_232 = tpu.memref_squeeze %dma_start3A_231 : memref<1x128x128xf32, #tpu.memory_space<vmem>> -> memref<128x128xf32, #tpu.memory_space<vmem>>
      %dma_start3A_233 = arith.constant 0 : i32
      %dma_start3A_234 = tpu.memref_slice %arg4[%add3A_227, %dma_start3A_233] : memref<819200x128xf32, #tpu.memory_space<hbm>> -> memref<128x128xf32, #tpu.memory_space<hbm>>
      %dma_start3A_235 = arith.constant 0 : i32
      %dma_start3A_236 = tpu.memref_slice %arg4[%add3A_227, %dma_start3A_235] : memref<819200x128xf32, #tpu.memory_space<hbm>> -> memref<128x128xf32, #tpu.memory_space<hbm>>
      %dma_start3A_237 = arith.constant 0 : i32
      %dma_start3A_238 = arith.constant 0 : i32
      %dma_start3A_239 = tpu.memref_slice %arg6[%dma_start3A_228, %dma_start3A_237, %dma_start3A_238] : memref<5x128x128xf32, #tpu.memory_space<vmem>> -> memref<1x128x128xf32, #tpu.memory_space<vmem>>
      %dma_start3A_240 = tpu.memref_squeeze %dma_start3A_239 : memref<1x128x128xf32, #tpu.memory_space<vmem>> -> memref<128x128xf32, #tpu.memory_space<vmem>>
      tpu.enqueue_dma source(%dma_start3A_240 : memref<128x128xf32, #tpu.memory_space<vmem>>) target(%dma_start3A_236 : memref<128x128xf32, #tpu.memory_space<hbm>>) target_semaphore(%arg15 : memref<!tpu.dma_semaphore, #tpu.memory_space<semaphore_mem>>)
      %add3A_241 = arith.constant 4 : i32
      %add3A_242 = arith.addi %add3A_80, %add3A_241 : i32
      %ge3A_243 = arith.constant 3 : i32
      %ge3A_244 = arith.cmpi sge, %add3A_242, %ge3A_243 : i32
      %convert_element_type3A_245 = arith.extui %ge3A_244 : i1 to i32
      %cond3A_246 = arith.constant 0 : i32
      %cond3A_247 = arith.cmpi ne, %convert_element_type3A_245, %cond3A_246 : i32
      scf.if %cond3A_247 {
        %sub3A = arith.constant 3 : i32
        %sub3A_282 = arith.subi %add3A_242, %sub3A : i32
        %mul3A_283 = arith.constant 128 : i32
        %mul3A_284 = arith.muli %sub3A_282, %mul3A_283 : i32
        %add3A_285 = arith.addi %mul3A_4, %mul3A_284 : i32
        %dma_wait3A_286 = arith.constant 1 : i32
        %dma_wait3A_287 = arith.constant 0 : i32
        %dma_wait3A_288 = arith.constant 0 : i32
        %dma_wait3A_289 = tpu.memref_slice %arg6[%dma_wait3A_286, %dma_wait3A_287, %dma_wait3A_288] : memref<5x128x128xf32, #tpu.memory_space<vmem>> -> memref<1x128x128xf32, #tpu.memory_space<vmem>>
        %dma_wait3A_290 = tpu.memref_squeeze %dma_wait3A_289 : memref<1x128x128xf32, #tpu.memory_space<vmem>> -> memref<128x128xf32, #tpu.memory_space<vmem>>
        %dma_wait3A_291 = arith.constant 0 : i32
        %dma_wait3A_292 = tpu.memref_slice %arg4[%add3A_285, %dma_wait3A_291] : memref<819200x128xf32, #tpu.memory_space<hbm>> -> memref<128x128xf32, #tpu.memory_space<hbm>>
        %dma_wait3A_293 = arith.constant 0 : i32
        %dma_wait3A_294 = tpu.memref_slice %arg4[%add3A_285, %dma_wait3A_293] : memref<819200x128xf32, #tpu.memory_space<hbm>> -> memref<128x128xf32, #tpu.memory_space<hbm>>
        %dma_wait3A_295 = arith.constant 0 : i32
        %dma_wait3A_296 = arith.constant 0 : i32
        %dma_wait3A_297 = tpu.memref_slice %arg6[%dma_wait3A_286, %dma_wait3A_295, %dma_wait3A_296] : memref<5x128x128xf32, #tpu.memory_space<vmem>> -> memref<1x128x128xf32, #tpu.memory_space<vmem>>
        %dma_wait3A_298 = tpu.memref_squeeze %dma_wait3A_297 : memref<1x128x128xf32, #tpu.memory_space<vmem>> -> memref<128x128xf32, #tpu.memory_space<vmem>>
        tpu.wait_dma2 semaphore(%arg13 : memref<!tpu.dma_semaphore, #tpu.memory_space<semaphore_mem>>) src(%dma_wait3A_298 : memref<128x128xf32, #tpu.memory_space<vmem>>) dst(%dma_wait3A_294 : memref<128x128xf32, #tpu.memory_space<hbm>>)
      } else {
      }
      %add3A_248 = arith.constant 2 : i32
      %add3A_249 = arith.addi %add3A_242, %add3A_248 : i32
      %lt3A_250 = arith.constant 200 : i32
      %lt3A_251 = arith.cmpi slt, %add3A_249, %lt3A_250 : i32
      %convert_element_type3A_252 = arith.extui %lt3A_251 : i1 to i32
      %cond3A_253 = arith.constant 0 : i32
      %cond3A_254 = arith.cmpi ne, %convert_element_type3A_252, %cond3A_253 : i32
      scf.if %cond3A_254 {
        %add3A_282 = arith.constant 2 : i32
        %add3A_283 = arith.addi %add3A_242, %add3A_282 : i32
        %dma_start3A_284 = arith.constant 1 : i32
        %dma_start3A_285 = arith.constant 0 : i32
        %dma_start3A_286 = arith.constant 0 : i32
        %dma_start3A_287 = tpu.memref_slice %arg6[%dma_start3A_284, %dma_start3A_285, %dma_start3A_286] : memref<5x128x128xf32, #tpu.memory_space<vmem>> -> memref<1x128x128xf32, #tpu.memory_space<vmem>>
        %dma_start3A_288 = tpu.memref_squeeze %dma_start3A_287 : memref<1x128x128xf32, #tpu.memory_space<vmem>> -> memref<128x128xf32, #tpu.memory_space<vmem>>
        %dma_start3A_289 = arith.constant 0 : i32
        %dma_start3A_290 = tpu.memref_slice %arg5[%add3A_283, %dma_start3A_289] : memref<200x128xi32, #tpu.memory_space<vmem>> -> memref<1x128xi32, #tpu.memory_space<vmem>>
        %dma_start3A_291 = tpu.memref_squeeze %dma_start3A_290 : memref<1x128xi32, #tpu.memory_space<vmem>> -> memref<128xi32, #tpu.memory_space<vmem>>
        %dma_start3A_292 = arith.constant 0 : i32
        %dma_start3A_293 = arith.constant 0 : i32
        %dma_start3A_294 = tpu.memref_slice %arg3[%dma_start3A_292, %dma_start3A_293] : memref<105096x128xf32, #tpu.memory_space<hbm>> -> memref<105096x128xf32, #tpu.memory_space<hbm>>
        tpu.enqueue_indirect_dma source(%dma_start3A_294 : memref<105096x128xf32, #tpu.memory_space<hbm>>) target(%dma_start3A_288 : memref<128x128xf32, #tpu.memory_space<vmem>>) offsets(%dma_start3A_291 : memref<128xi32, #tpu.memory_space<vmem>>) semaphore(%arg8 : memref<!tpu.dma_semaphore, #tpu.memory_space<semaphore_mem>>)
      } else {
      }
      %dma_wait3A_255 = arith.constant 4 : i32
      %dma_wait3A_256 = arith.constant 0 : i32
      %dma_wait3A_257 = arith.constant 0 : i32
      %dma_wait3A_258 = tpu.memref_slice %arg6[%dma_wait3A_255, %dma_wait3A_256, %dma_wait3A_257] : memref<5x128x128xf32, #tpu.memory_space<vmem>> -> memref<1x128x128xf32, #tpu.memory_space<vmem>>
      %dma_wait3A_259 = tpu.memref_squeeze %dma_wait3A_258 : memref<1x128x128xf32, #tpu.memory_space<vmem>> -> memref<128x128xf32, #tpu.memory_space<vmem>>
      %dma_wait3A_260 = arith.constant 0 : i32
      %dma_wait3A_261 = tpu.memref_slice %arg5[%add3A_242, %dma_wait3A_260] : memref<200x128xi32, #tpu.memory_space<vmem>> -> memref<1x128xi32, #tpu.memory_space<vmem>>
      %dma_wait3A_262 = tpu.memref_squeeze %dma_wait3A_261 : memref<1x128xi32, #tpu.memory_space<vmem>> -> memref<128xi32, #tpu.memory_space<vmem>>
      %dma_wait3A_263 = arith.constant 0 : i32
      %dma_wait3A_264 = arith.constant 0 : i32
      %dma_wait3A_265 = tpu.memref_slice %arg3[%dma_wait3A_263, %dma_wait3A_264] : memref<105096x128xf32, #tpu.memory_space<hbm>> -> memref<105096x128xf32, #tpu.memory_space<hbm>>
      tpu.wait_indirect_dma semaphore(%arg11 : memref<!tpu.dma_semaphore, #tpu.memory_space<semaphore_mem>>) src(%dma_wait3A_265 : memref<105096x128xf32, #tpu.memory_space<hbm>>) dst(%dma_wait3A_259 : memref<128x128xf32, #tpu.memory_space<vmem>>)
      %mul3A_266 = arith.constant 128 : i32
      %mul3A_267 = arith.muli %add3A_242, %mul3A_266 : i32
      %add3A_268 = arith.addi %mul3A_4, %mul3A_267 : i32
      %dma_start3A_269 = arith.constant 4 : i32
      %dma_start3A_270 = arith.constant 0 : i32
      %dma_start3A_271 = arith.constant 0 : i32
      %dma_start3A_272 = tpu.memref_slice %arg6[%dma_start3A_269, %dma_start3A_270, %dma_start3A_271] : memref<5x128x128xf32, #tpu.memory_space<vmem>> -> memref<1x128x128xf32, #tpu.memory_space<vmem>>
      %dma_start3A_273 = tpu.memref_squeeze %dma_start3A_272 : memref<1x128x128xf32, #tpu.memory_space<vmem>> -> memref<128x128xf32, #tpu.memory_space<vmem>>
      %dma_start3A_274 = arith.constant 0 : i32
      %dma_start3A_275 = tpu.memref_slice %arg4[%add3A_268, %dma_start3A_274] : memref<819200x128xf32, #tpu.memory_space<hbm>> -> memref<128x128xf32, #tpu.memory_space<hbm>>
      %dma_start3A_276 = arith.constant 0 : i32
      %dma_start3A_277 = tpu.memref_slice %arg4[%add3A_268, %dma_start3A_276] : memref<819200x128xf32, #tpu.memory_space<hbm>> -> memref<128x128xf32, #tpu.memory_space<hbm>>
      %dma_start3A_278 = arith.constant 0 : i32
      %dma_start3A_279 = arith.constant 0 : i32
      %dma_start3A_280 = tpu.memref_slice %arg6[%dma_start3A_269, %dma_start3A_278, %dma_start3A_279] : memref<5x128x128xf32, #tpu.memory_space<vmem>> -> memref<1x128x128xf32, #tpu.memory_space<vmem>>
      %dma_start3A_281 = tpu.memref_squeeze %dma_start3A_280 : memref<1x128x128xf32, #tpu.memory_space<vmem>> -> memref<128x128xf32, #tpu.memory_space<vmem>>
      tpu.enqueue_dma source(%dma_start3A_281 : memref<128x128xf32, #tpu.memory_space<vmem>>) target(%dma_start3A_277 : memref<128x128xf32, #tpu.memory_space<hbm>>) target_semaphore(%arg16 : memref<!tpu.dma_semaphore, #tpu.memory_space<semaphore_mem>>)
    }
    %scan3A_31 = arith.constant 40 : i32
    %add3A_32 = arith.constant 25216 : i32
    %add3A_33 = arith.addi %mul3A_4, %add3A_32 : i32
    %dma_wait3A = arith.constant 2 : i32
    %dma_wait3A_34 = arith.constant 0 : i32
    %dma_wait3A_35 = arith.constant 0 : i32
    %dma_wait3A_36 = tpu.memref_slice %arg6[%dma_wait3A, %dma_wait3A_34, %dma_wait3A_35] : memref<5x128x128xf32, #tpu.memory_space<vmem>> -> memref<1x128x128xf32, #tpu.memory_space<vmem>>
    %dma_wait3A_37 = tpu.memref_squeeze %dma_wait3A_36 : memref<1x128x128xf32, #tpu.memory_space<vmem>> -> memref<128x128xf32, #tpu.memory_space<vmem>>
    %dma_wait3A_38 = arith.constant 0 : i32
    %dma_wait3A_39 = tpu.memref_slice %arg4[%add3A_33, %dma_wait3A_38] : memref<819200x128xf32, #tpu.memory_space<hbm>> -> memref<128x128xf32, #tpu.memory_space<hbm>>
    %dma_wait3A_40 = arith.constant 0 : i32
    %dma_wait3A_41 = tpu.memref_slice %arg4[%add3A_33, %dma_wait3A_40] : memref<819200x128xf32, #tpu.memory_space<hbm>> -> memref<128x128xf32, #tpu.memory_space<hbm>>
    %dma_wait3A_42 = arith.constant 0 : i32
    %dma_wait3A_43 = arith.constant 0 : i32
    %dma_wait3A_44 = tpu.memref_slice %arg6[%dma_wait3A, %dma_wait3A_42, %dma_wait3A_43] : memref<5x128x128xf32, #tpu.memory_space<vmem>> -> memref<1x128x128xf32, #tpu.memory_space<vmem>>
    %dma_wait3A_45 = tpu.memref_squeeze %dma_wait3A_44 : memref<1x128x128xf32, #tpu.memory_space<vmem>> -> memref<128x128xf32, #tpu.memory_space<vmem>>
    tpu.wait_dma2 semaphore(%arg14 : memref<!tpu.dma_semaphore, #tpu.memory_space<semaphore_mem>>) src(%dma_wait3A_45 : memref<128x128xf32, #tpu.memory_space<vmem>>) dst(%dma_wait3A_41 : memref<128x128xf32, #tpu.memory_space<hbm>>)
    %add3A_46 = arith.constant 25344 : i32
    %add3A_47 = arith.addi %mul3A_4, %add3A_46 : i32
    %dma_wait3A_48 = arith.constant 3 : i32
    %dma_wait3A_49 = arith.constant 0 : i32
    %dma_wait3A_50 = arith.constant 0 : i32
    %dma_wait3A_51 = tpu.memref_slice %arg6[%dma_wait3A_48, %dma_wait3A_49, %dma_wait3A_50] : memref<5x128x128xf32, #tpu.memory_space<vmem>> -> memref<1x128x128xf32, #tpu.memory_space<vmem>>
    %dma_wait3A_52 = tpu.memref_squeeze %dma_wait3A_51 : memref<1x128x128xf32, #tpu.memory_space<vmem>> -> memref<128x128xf32, #tpu.memory_space<vmem>>
    %dma_wait3A_53 = arith.constant 0 : i32
    %dma_wait3A_54 = tpu.memref_slice %arg4[%add3A_47, %dma_wait3A_53] : memref<819200x128xf32, #tpu.memory_space<hbm>> -> memref<128x128xf32, #tpu.memory_space<hbm>>
    %dma_wait3A_55 = arith.constant 0 : i32
    %dma_wait3A_56 = tpu.memref_slice %arg4[%add3A_47, %dma_wait3A_55] : memref<819200x128xf32, #tpu.memory_space<hbm>> -> memref<128x128xf32, #tpu.memory_space<hbm>>
    %dma_wait3A_57 = arith.constant 0 : i32
    %dma_wait3A_58 = arith.constant 0 : i32
    %dma_wait3A_59 = tpu.memref_slice %arg6[%dma_wait3A_48, %dma_wait3A_57, %dma_wait3A_58] : memref<5x128x128xf32, #tpu.memory_space<vmem>> -> memref<1x128x128xf32, #tpu.memory_space<vmem>>
    %dma_wait3A_60 = tpu.memref_squeeze %dma_wait3A_59 : memref<1x128x128xf32, #tpu.memory_space<vmem>> -> memref<128x128xf32, #tpu.memory_space<vmem>>
    tpu.wait_dma2 semaphore(%arg15 : memref<!tpu.dma_semaphore, #tpu.memory_space<semaphore_mem>>) src(%dma_wait3A_60 : memref<128x128xf32, #tpu.memory_space<vmem>>) dst(%dma_wait3A_56 : memref<128x128xf32, #tpu.memory_space<hbm>>)
    %add3A_61 = arith.constant 25472 : i32
    %add3A_62 = arith.addi %mul3A_4, %add3A_61 : i32
    %dma_wait3A_63 = arith.constant 4 : i32
    %dma_wait3A_64 = arith.constant 0 : i32
    %dma_wait3A_65 = arith.constant 0 : i32
    %dma_wait3A_66 = tpu.memref_slice %arg6[%dma_wait3A_63, %dma_wait3A_64, %dma_wait3A_65] : memref<5x128x128xf32, #tpu.memory_space<vmem>> -> memref<1x128x128xf32, #tpu.memory_space<vmem>>
    %dma_wait3A_67 = tpu.memref_squeeze %dma_wait3A_66 : memref<1x128x128xf32, #tpu.memory_space<vmem>> -> memref<128x128xf32, #tpu.memory_space<vmem>>
    %dma_wait3A_68 = arith.constant 0 : i32
    %dma_wait3A_69 = tpu.memref_slice %arg4[%add3A_62, %dma_wait3A_68] : memref<819200x128xf32, #tpu.memory_space<hbm>> -> memref<128x128xf32, #tpu.memory_space<hbm>>
    %dma_wait3A_70 = arith.constant 0 : i32
    %dma_wait3A_71 = tpu.memref_slice %arg4[%add3A_62, %dma_wait3A_70] : memref<819200x128xf32, #tpu.memory_space<hbm>> -> memref<128x128xf32, #tpu.memory_space<hbm>>
    %dma_wait3A_72 = arith.constant 0 : i32
    %dma_wait3A_73 = arith.constant 0 : i32
    %dma_wait3A_74 = tpu.memref_slice %arg6[%dma_wait3A_63, %dma_wait3A_72, %dma_wait3A_73] : memref<5x128x128xf32, #tpu.memory_space<vmem>> -> memref<1x128x128xf32, #tpu.memory_space<vmem>>
    %dma_wait3A_75 = tpu.memref_squeeze %dma_wait3A_74 : memref<1x128x128xf32, #tpu.memory_space<vmem>> -> memref<128x128xf32, #tpu.memory_space<vmem>>
    tpu.wait_dma2 semaphore(%arg16 : memref<!tpu.dma_semaphore, #tpu.memory_space<semaphore_mem>>) src(%dma_wait3A_75 : memref<128x128xf32, #tpu.memory_space<vmem>>) dst(%dma_wait3A_71 : memref<128x128xf32, #tpu.memory_space<hbm>>)
    return
  }
}

</mosaic_0001>

<sc_bundles>
// kernel: kernel.3.cloned.1.call-start
scs
__scs_entry_jumppad:
0x0: {  	(pc) =	sbr.rel $0x88, $3  }
0x1: {  	(tag) =	ssettag $0x0;
	lr =	simm.s32 $0x1  }
0x2: {  	[smem:$0x3F9D] =	sst lr;
	_ =	strace $0xD0000000  }
0x3: {  	_ = 	snop  }
0x4: {  	_ = 	snop  }
0x5: {  	_ = 	snop  }
0x6: {  	_ = 	snop  }
0x7: {  	_ = 	snop  }
__scs_overlays_trampoline_lowered:
0x8: {  	[smem:$0x3FAC] =	sst s0  }
0x9: {  	[smem:$0x3FAD] =	sst s1  }
0xa: {  	[smem:$0x3FAE] =	sst s2  }
0xb: {  	[smem:$0x3FAF] =	sst s3  }
0xc: {  	[smem:$0x3FB0] =	sst s4  }
0xd: {  	[smem:$0x3FB1] =	sst s5  }
0xe: {  	[smem:$0x3FB2] =	sst s6  }
0xf: {  	[smem:$0x3FB3] =	sst s7  }
0x10: {  	[smem:$0x3FB4] =	sst s8  }
0x11: {  	[smem:$0x3FB5] =	sst s9;
	s0 =	simm.s32 @!p0 $0x0  }
0x12: {  	s1 =	sld [smem:$0x3F9B];
	s0 =	simm.s32 @p0 $0x1  }
0x13: {  	[smem:$0x3FB6] =	sst s0;
	s0 =	simm.s32 @!p1 $0x0  }
0x14: {  	s2 =	sld [smem:$0x3F9A];
	s0 =	simm.s32 @p1 $0x1  }
0x15: {  	[smem:$0x3FB7] =	sst s0;
	s0 =	simm.s32 @!p2 $0x0  }
0x16: {  	s3 =	sld [smem:$0x3FDB];
	s0 =	simm.s32 @p2 $0x1  }
0x17: {  	s4 =	simm.s32 $0x1BF5;
	[smem:$0x3FB9] =	sst s0  }
0x18: {  	s0 =	sld [smem:$0x3F9C];
	_ =	swait.ge [sflag:s4], $0x0  }
0x19: {  	s7 =	sld [smem:$0x3F9D]  }
0x1a: {  	s8 =	sadd.s32 $0xFFFFE003, lr  }
0x1b: {  	s9 =	sadd.s32 $0xFFFFFEF7, lr;
	s5 =	simm.s32 $0xFFFFFFFF;
	p2 =	slt.u32 s8, $0xFFFFF086  }
0x1c: {  	p1 =	slt.u32 s9, $0xF7A;
	s5 =	simm.s32 @!p2 $0x0  }
0x1d: {  	s5 =	simm.s32 @p1 $0x1;
	p0 =	seq.s32 s7, s2  }
0x1e: {  	s7 =	smul.u32 @!p0 $0xF7A, s2;
	p2 =	seq.s32 @!p0 s5, $0x0  }
0x1f: {  	s9 =	smul.u32 $0xF7A, s1;
	s8 =	simm.s32 @!p0 $0x1BF5;
	p2 =	por !p2, p0  }
0x20: {  	[sflag:s8] =	ssyncset.s32 @!p0 $0xFFFFF086;
	s6 =	sadd.s32 @!p0 s3, s7;
	s7 =	simm.s32 @!p0 $0x108  }
0x21: {  	s3 =	sadd.s32 s3, s9;
	s6 =	sadd.s32 @!p0 $0x88, s6;
	s7 =	simm.s32 @p2 $0x1082  }
0x22: {  	[simem:s7], [sflag:s8] =	dma.local @!p0 [hbm:s6], $0xF7A  }
0x23: {  	s9 =	sor.u32 $0xD0000000, s2;
	s6 =	simm.s32 $0x108;
	_ =	swait.ge @!p0 [sflag:s8], $0x0  }
0x24: {  	s3 =	sadd.s32 $0x88, s3;
	s6 =	simm.s32 @!p1 $0x1082;
	[sflag:s4] =	ssyncset.s32 $0xFFFFF086  }
0x25: {  	[simem:s6], [sflag:s4] =	dma.local [hbm:s3], $0xF7A  }
0x26: {  	[smem:$0x3F9D] =	sst s1;
	(tag) =	ssettag s2;
	_ =	strace s9  }
0x27: {  	s1 =	sld [smem:$0x3FAD]  }
0x28: {  	s2 =	sld [smem:$0x3FAE]  }
0x29: {  	s4 =	sld [smem:$0x3FB0]  }
0x2a: {  	p0 =	seq.s32 s5, $0x0;
	s5 =	sld [smem:$0x3FB1]  }
0x2b: {  	s6 =	sld [smem:$0x3FB2]  }
0x2c: {  	s7 =	sld [smem:$0x3FB3]  }
0x2d: {  	s3 =	simm.s32 $0x108;
	s8 =	sld [smem:$0x3FB4]  }
0x2e: {  	s3 =	simm.s32 @!p0 $0x1082;
	s9 =	sld [smem:$0x3FB5]  }
0x2f: {  	lr =	sadd.s32 s0, s3;
	s0 =	sld [smem:$0x3FAC]  }
0x30: {  	s3 =	sld [smem:$0x3FAF]  }
0x31: {  	[smem:$0x3FB8] =	sst s10  }
0x32: {  	s10 =	sld [smem:$0x3FB6];
	_ =	sdelay $0x3  }
0x33: {  	p0 =	seq.s32 s10, $0x1;
	s10 =	sld [smem:$0x3FB8];
	_ =	sdelay $0x3  }
0x34: {  	[smem:$0x3FB8] =	sst s10  }
0x35: {  	s10 =	sld [smem:$0x3FB7];
	_ =	sdelay $0x3  }
0x36: {  	p1 =	seq.s32 s10, $0x1;
	s10 =	sld [smem:$0x3FB8];
	_ =	sdelay $0x3  }
0x37: {  	[smem:$0x3FB8] =	sst s10  }
0x38: {  	s10 =	sld [smem:$0x3FB9]  }
0x39: {  	_ = 	snop;
	(pc) =	sbr.ind lr, $3  }
0x3a: {  	_ = 	snop  }
0x3b: {  	_ = 	snop  }
0x3c: {  	p2 =	seq.s32 s10, $0x1;
	s10 =	sld [smem:$0x3FB8]  }
0x3d: {  	_ =	shalt  }
0x3e: {  	_ =	shalt  }
0x3f: {  	_ =	shalt  }
0x40: {  	_ =	shalt  }
0x41: {  	_ =	shalt  }
0x42: {  	_ =	shalt  }
0x43: {  	_ =	shalt  }
0x44: {  	_ =	shalt  }
0x45: {  	_ =	shalt  }
0x46: {  	_ =	shalt  }
0x47: {  	_ =	shalt  }
0x48: {  	_ =	shalt  }
0x49: {  	_ =	shalt  }
0x4a: {  	_ =	shalt  }
0x4b: {  	_ =	shalt  }
0x4c: {  	_ =	shalt  }
0x4d: {  	_ =	shalt  }
0x4e: {  	_ =	shalt  }
0x4f: {  	_ =	shalt  }
0x50: {  	_ =	shalt  }
0x51: {  	_ =	shalt  }
0x52: {  	_ =	shalt  }
0x53: {  	_ =	shalt  }
0x54: {  	_ =	shalt  }
0x55: {  	_ =	shalt  }
0x56: {  	_ =	shalt  }
0x57: {  	_ =	shalt  }
0x58: {  	_ =	shalt  }
0x59: {  	_ =	shalt  }
0x5a: {  	_ =	shalt  }
0x5b: {  	_ =	shalt  }
0x5c: {  	_ =	shalt  }
0x5d: {  	_ =	shalt  }
0x5e: {  	_ =	shalt  }
0x5f: {  	_ =	shalt  }
0x60: {  	_ =	shalt  }
0x61: {  	_ =	shalt  }
0x62: {  	_ =	shalt  }
0x63: {  	_ =	shalt  }
0x64: {  	_ =	shalt  }
0x65: {  	_ =	shalt  }
0x66: {  	_ =	shalt  }
0x67: {  	_ =	shalt  }
0x68: {  	_ =	shalt  }
0x69: {  	_ =	shalt  }
0x6a: {  	_ =	shalt  }
0x6b: {  	_ =	shalt  }
0x6c: {  	_ =	shalt  }
0x6d: {  	_ =	shalt  }
0x6e: {  	_ =	shalt  }
0x6f: {  	_ =	shalt  }
0x70: {  	_ =	shalt  }
0x71: {  	_ =	shalt  }
0x72: {  	_ =	shalt  }
0x73: {  	_ =	shalt  }
0x74: {  	_ =	shalt  }
0x75: {  	_ =	shalt  }
0x76: {  	_ =	shalt  }
0x77: {  	_ =	shalt  }
0x78: {  	_ =	shalt  }
0x79: {  	_ =	shalt  }
0x7a: {  	_ =	shalt  }
0x7b: {  	_ =	shalt  }
0x7c: {  	_ =	shalt  }
0x7d: {  	_ =	shalt  }
0x7e: {  	_ =	shalt  }
0x7f: {  	_ =	shalt  }
0x80: {  	_ =	shalt  }
0x81: {  	_ =	shalt  }
0x82: {  	_ =	shalt  }
0x83: {  	_ =	shalt  }
0x84: {  	_ =	shalt  }
0x85: {  	_ =	shalt  }
0x86: {  	_ =	shalt  }
0x87: {  	_ =	shalt  }
.Lfunc_end0:
.L_simem_size_0:
called_computation_lowered:
.L_overlay_start_0:
0x88: {  	s2 =	sld [smem:$0x3FD9]  }
0x89: {  	s3 =	sld [smem:$0x3FFE];
	_ =	sdelay $0x1  }
0x8a: {  	s1 =	srdreg.scid  }
0x8b: {  	s0 =	sand.u32 $0x1, s1  }
0x8c: {  	s17 =	sshll.u32 s0, $0xA;
	s2 =	sadd.s32 s3, s2  }
0x8d: {  	s2 =	sadd.s32 s2, s17  }
0x8e: {  	[smem:$0x3FC4] =	sst s2  }
0x8f: {  	_ = 	snop  }
0x90: {  	s2 =	sld [smem:$0x3FD0];
	(tm) =	ssettm $0x1  }
0x91: {  	s18 =	sld [smem:$0x3FFB];
	_ =	sdelay $0x3  }
0x92: {  	_ =	strace s18  }
0x93: {  	s3 =	sld [smem:$0x3FFC];
	_ =	sdelay $0x3  }
0x94: {  	_ =	strace s3  }
0x95: {  	s3 =	sld [smem:$0x3FFD];
	_ =	sdelay $0x3  }
0x96: {  	_ =	strace s3  }
0x97: {  	_ =	strace $0x8FFFFFFF  }
0x98: {  	s19 =	sld [smem:$0x3FDB];
	_ =	sdelay $0x1  }
0x99: {  	s4 =	simm.s32 $_scs_section_size  }
0x9a: {  	s5 =	simm.s32 $_size__tile_overlayer_lowered;
	s6 =	simm.s32 $_tile_overlayer_lowered  }
0x9b: {  	s22 =	simm.s32 $0x1BFF;
	s21 =	sshll.u32 s6, $0x1;
	s3 =	sadd.s32 s4, s19  }
0x9c: {  	s7 =	simm.s32 $0x0;
	s20 =	sshll.u32 s5, $0x1;
	s5 =	sadd.s32 s21, s3  }
0x9d: {  	[timem:s7], [sflag:s22] =	dma.local [hbm:s5], s20  }
0x9e: {  	_ =	swait.ge [sflag:s22], s20  }
0x9f: {  	s4 =	ssub.s32 $0x0, s20;
	[sflag:s22] =	ssyncset.done $0x0  }
0xa0: {  	[sflag:s22] =	ssyncadd.s32 s4;
	_ =	sdelay $0x1  }
0xa1: {  	s23 =	simm.s32 $0x1B8B  }
0xa2: {  	_ =	swait.ge [sflag:s23], $0x1  }
0xa3: {  	[sflag:s23] =	ssyncset.done $0x0  }
0xa4: {  	s25 =	simm.s32 $0x1B8E;
	s24 =	sld [smem:$0x3FFE];
	[sflag:s23] =	ssyncadd.s32 $0xFFFFFFFF  }
0xa5: {  	s26 =	simm.s32 $execute0_lowered;
	[smem:$0x3FD2] =	sst s25  }
0xa6: {  	s5 =	sshll.u32 s26, $0x1;
	_ =	strace $0x80000046;
	[dreg:$0x1] =	wrdreg $0xFFFFFFFF  }
0xa7: {  	s28 =	simm.s32 $_size_execute0_lowered;
	s3 =	sadd.s32 s3, s5;
	[dreg:$0x0] =	wrdreg $0x0  }
0xa8: {  	s5 =	sshll.u32 s28, $0x1;
	[dreg:$0x2] =	wrdreg s3  }
0xa9: {  	[dreg:$0x3] =	wrdreg s5  }
0xaa: {  	[dreg:$0x4] =	wrdreg $0xC0  }
0xab: {  	_ =	task [dreg:s7], $0x5FFFF  }
0xac: {  	[dreg:$0x1] =	wrdreg $0xFFFFFFFF  }
0xad: {  	[dreg:$0x0] =	wrdreg $0x60  }
0xae: {  	[dreg:$0x2] =	wrdreg s24  }
0xaf: {  	[dreg:$0x3] =	wrdreg s2  }
0xb0: {  	[dreg:$0x4] =	wrdreg $0x9  }
0xb1: {  	_ =	task.clear_ibuf [dreg:s7], $0x5FFFF;
	_ =	strace $0x90000046  }
0xb2: {  	s29 =	simm.s32 $0x9;
	_ =	strace $0x80000048  }
0xb3: {  	_ =	swait.ge [sflag:s29], $0x1  }
0xb4: {  	[sflag:s29] =	ssyncadd.s32 $0xFFFFFFFF  }
0xb5: {  	_ =	strace $0x90000048  }
0xb6: {  	_ =	sfence  }
0xb7: {  	s30 =	sld [smem:$0x0];
	_ =	sdelay $0x2  }
0xb8: {  	s31 =	sshll.u32 s1, $0xD;
	s1 =	sshrl.u32 s1, $0x2  }
0xb9: {  	s3 =	sand.u32 $0x4000, s31;
	s1 =	sadd.s32 s1, s30  }
0xba: {  	s0 =	sor.u32 s3, s0;
	s1 =	sshll.u32 s1, $0x11  }
0xbb: {  	s0 =	sor.u32 s1, s0  }
0xbc: {  	s0 =	sadd.s32 $0x8F2B, s0  }
0xbd: {  	[sflag:s0] =	ssyncadd.remote.s32 $0x1  }
0xbe: {  	_ =	sfence.sel $0xFFFF  }
0xbf: {  	[dreg:$0x0] =	wrdreg $0xFFFFFFFF;
	(pc) =	sbr.abs _section_cstart, $3  }
0xc0: {  	[dreg:$0x1] =	wrdreg $0xFFFFFFFF  }
0xc1: {  	_ =	task.clear_ibuf [dreg:s7], $0x2FFFF;
	_ =	strace $0x9FFFFFFF  }
0xc2: {  	(tm) =	ssettm $0x7FFFFFFF  }
0xc3: {  	_ =	shalt  }
tec
execute0_lowered:
.L_overlay_start_1:
0x0: {  	(tag) =	ssettag $0x1  }
0x1: {  	s0 =	srdreg.scid;
	s1 =	rddreg [dreg:$0x0]  }
0x2: {  	s9 =	stileid.u32;
	s4 =	rddreg [dreg:$0x1]  }
0x3: {  	s12 =	simm.s32 $0x80;
	s13 =	simm.s32 $0x6400;
	s14 =	simm.s32 $0xA400  }
0x4: {  	s15 =	simm.s32 $0xE400;
	s16 =	simm.s32 $0x1;
	s17 =	simm.s32 $0x12400  }
0x5: {  	s18 =	simm.s32 $0x2;
	s19 =	simm.s32 $0x16400;
	s20 =	simm.s32 $0x3  }
0x6: {  	s21 =	simm.s32 $0x6;
	s22 =	simm.s32 $0x4;
	s5 =	smul.u32 $0x640000, s9  }
0x7: {  	s0 =	sand.u32 $0x1, s0;
	s2 =	sshll.u32 s9, $0x1;
	s9 =	smul.u32 $0xC8000, s9  }
0x8: {  	s23 =	simm.s32 $0x7;
	s3 =	sor.u32 s0, s2;
	s6 =	smul.u32 $0x320000, s0  }
0x9: {  	s2 =	simm.s32 $0x0;
	s24 =	ssub.s32 $0x2, s0;
	s0 =	smul.u32 $0x64000, s0  }
0xa: {  	s29 =	simm.s32 $0x0;
	s3 =	smul.u32 $0xC80, s3;
	[smem:$0x7FF] =	sst s2  }
0xb: {  	s8 =	sshrl.u32 s24, $0x1;
	s25 =	sadd.s32 s9, s4;
	_ =	strace $0x80000047  }
0xc: {  	s5 =	sadd.s32 s6, s5;
	s0 =	sadd.s32 s0, s25;
	s7 =	sadd.s32 s3, s1  }
0xd: {  	s3 =	sadd.s32 $0x19400, s1;
	s1 =	ssub.s32 s24, s8;
	s6 =	sor.u32 $0x10000, s5  }
0xe: {  	[dreg:$0x5] =	wrdreg s0;
	s30 =	sor.u32 $0xC000, s5;
	s31 =	sor.u32 $0x8000, s5  }
0xf: {  	s5 =	sor.u32 $0x4000, s5;
	s24 =	simm.s32 $0x5;
	s7 =	sadd.s32 $0x400, s7  }
0x10: {  	s26 =	sshrl.u32 s6, $0x3;
	s1 =	smax.u32 s1, $0x1;
	[dreg:$0x3] =	wrdreg s7  }
0x11: {  	s0 =	sshrl.u32 s30, $0x3;
	s5 =	sshrl.u32 s5, $0x3;
	[dreg:$0x4] =	wrdreg s1  }
0x12: {  	s28 =	sadd.s32 s26, s4;
	s1 =	sshrl.u32 s31, $0x3;
	s8 =	sadd.s32 s0, s4  }
0x13: {  	s10 =	sadd.s32 s5, s4;
	[dreg:$0x6] =	wrdreg s28;
	s9 =	sadd.s32 s1, s4  }
.LBB2_1:
0x14: {  	s0 =	rddreg [dreg:$0x3];
	s11 =	simm.s32 $0xB  }
0x15: {  	[tilespmem:s2], [sflag:$0xB] =	stream.linear.gather [hbm4b:s0+s2], $0x6400, $0x38;
	[tilespmem:$0x1A400] =	vst v63  }
0x16: {  	_ =	swait.ge [sflag:s11], $0x6400  }
0x17: {  	[sflag:s11] =	ssyncset.done $0x0  }
0x18: {  	p0 =	por $0x1, $0x1;
	[sflag:s11] =	ssyncadd.s32 $0xFFFF9C00  }
0x19: {  	[tilespmem:s13], [sflag:$0x1] =	stream.indirect.gather [hbm4b:s3+s12], $0x80, s2, s12, $0xb8;
	[tilespmem:$0x1A400] =	vst v63  }
0x1a: {  	s0 =	simm.s32 @!p0 $0x8  }
0x1b: {  	[tilespmem:s14], [sflag:$0x2] =	stream.indirect.gather [hbm4b:s3+s12], $0x80, s12, s12, $0xb8;
	[tilespmem:$0x1A400] =	vst v63  }
0x1c: {  	_ =	swait.ge @!p0 [sflag:s0], $0x4000  }
0x1d: {  	[sflag:s0] =	ssyncset.done @!p0 $0x0  }
0x1e: {  	s25 =	simm.s32 $0x100;
	[sflag:s0] =	ssyncadd.s32 @!p0 $0xFFFFC000  }
0x1f: {  	[tilespmem:s15], [sflag:$0x3] =	stream.indirect.gather [hbm4b:s3+s12], $0x80, s25, s12, $0xb8;
	[tilespmem:$0x1A400] =	vst v63  }
0x20: {  	_ =	swait.ge [sflag:s16], $0x4000  }
0x21: {  	[sflag:s16] =	ssyncset.done $0x0  }
0x22: {  	s0 =	simm.s32 @!p0 $0x9;
	s6 =	rddreg [dreg:$0x5];
	[sflag:s16] =	ssyncadd.s32 $0xFFFFC000  }
0x23: {  	[hbm4b:s6+s2] =	stream.linear.scatter [tilespmem:s13], [sflag:$0x6], $0x4000, $0x38;
	[tilespmem:$0x1A400] =	vst v63  }
0x24: {  	_ =	swait.ge @!p0 [sflag:s0], $0x4000  }
0x25: {  	[sflag:s0] =	ssyncset.done @!p0 $0x0  }
0x26: {  	s26 =	simm.s32 $0x180;
	[sflag:s0] =	ssyncadd.s32 @!p0 $0xFFFFC000  }
0x27: {  	[tilespmem:s17], [sflag:$0x4] =	stream.indirect.gather [hbm4b:s3+s12], $0x80, s26, s12, $0xb8;
	[tilespmem:$0x1A400] =	vst v63  }
0x28: {  	_ =	swait.ge [sflag:s18], $0x4000  }
0x29: {  	[sflag:s18] =	ssyncset.done $0x0  }
0x2a: {  	s0 =	simm.s32 @!p0 $0xA;
	[sflag:s18] =	ssyncadd.s32 $0xFFFFC000  }
0x2b: {  	[hbm4b:s10+s2] =	stream.linear.scatter [tilespmem:s14], [sflag:$0x7], $0x4000, $0x38;
	[tilespmem:$0x1A400] =	vst v63  }
0x2c: {  	_ =	swait.ge @!p0 [sflag:s0], $0x4000  }
0x2d: {  	[sflag:s0] =	ssyncset.done @!p0 $0x0  }
0x2e: {  	s28 =	simm.s32 $0x200;
	[sflag:s0] =	ssyncadd.s32 @!p0 $0xFFFFC000  }
0x2f: {  	[tilespmem:s19], [sflag:$0x5] =	stream.indirect.gather [hbm4b:s3+s12], $0x80, s28, s12, $0xb8;
	[tilespmem:$0x1A400] =	vst v63  }
0x30: {  	_ =	swait.ge [sflag:s20], $0x4000  }
0x31: {  	[sflag:s20] =	ssyncset.done $0x0  }
0x32: {  	[sflag:s20] =	ssyncadd.s32 $0xFFFFC000  }
0x33: {  	[hbm4b:s9+s2] =	stream.linear.scatter [tilespmem:s15], [sflag:$0x8], $0x4000, $0x38;
	[tilespmem:$0x1A400] =	vst v63  }
0x34: {  	p0 =	por $0x0, $0x0;
	_ =	swait.ge [sflag:s21], $0x4000  }
0x35: {  	s0 =	simm.s32 @!p0 $0x6400;
	[sflag:s21] =	ssyncset.done $0x0  }
0x36: {  	s1 =	simm.s32 @!p0 $0x280;
	s7 =	simm.s32 @!p0 $0x80;
	[sflag:s21] =	ssyncadd.s32 $0xFFFFC000  }
0x37: {  	[tilespmem:s0], [sflag:$0x1] =	stream.indirect.gather @!p0 [hbm4b:s3+s7], $0x80, s1, s7, $0xb8;
	[tilespmem:$0x1A400] =	vst v63  }
0x38: {  	_ =	swait.ge [sflag:s22], $0x4000  }
0x39: {  	[sflag:s22] =	ssyncset.done $0x0  }
0x3a: {  	[sflag:s22] =	ssyncadd.s32 $0xFFFFC000  }
0x3b: {  	[hbm4b:s8+s2] =	stream.linear.scatter [tilespmem:s17], [sflag:$0x9], $0x4000, $0x38;
	[tilespmem:$0x1A400] =	vst v63  }
0x3c: {  	_ =	swait.ge [sflag:s23], $0x4000  }
0x3d: {  	s5 =	simm.s32 $0x1400;
	s4 =	sadd.s32 $0x2800, s10;
	[sflag:s23] =	ssyncset.done $0x0  }
0x3e: {  	s11 =	simm.s32 @!p0 $0x300;
	s26 =	simm.s32 @!p0 $0xA400;
	[sflag:s23] =	ssyncadd.s32 $0xFFFFC000  }
0x3f: {  	[tilespmem:s26], [sflag:$0x2] =	stream.indirect.gather @!p0 [hbm4b:s3+s7], $0x80, s11, s7, $0xb8;
	[tilespmem:$0x1A400] =	vst v63  }
0x40: {  	s31 =	sadd.s32 $0x2800, s8;
	p1 =	por $0x0, $0x0;
	_ =	swait.ge [sflag:s24], $0x4000  }
0x41: {  	s1 =	simm.s32 $0xA00;
	s0 =	sadd.s32 $0x2800, s9;
	s7 =	rddreg [dreg:$0x6]  }
0x42: {  	s11 =	sadd.s32 $0x2800, s6;
	[sflag:s24] =	ssyncset.done $0x0;
	s30 =	sadd.s32 $0x2800, s7  }
.LBB2_2:
0x43: {  	s28 =	simm.s32 @!p1 $0x8  }
0x44: {  	[sflag:s24] =	ssyncadd.s32 $0xFFFFC000;
	s26 =	smov.u32 s5;
	s5 =	sadd.s32 $0xA00, s5  }
0x45: {  	[hbm4b:s7+s2] =	stream.linear.scatter [tilespmem:s19], [sflag:$0xA], $0x4000, $0x38;
	[tilespmem:$0x1A400] =	vst v63  }
0x46: {  	p0 =	sne.s32 s5, $0x19000;
	s7 =	smov.u32 s30;
	_ =	swait.ge @!p1 [sflag:s28], $0x4000  }
0x47: {  	s6 =	sshra.s32 s1, $0x2;
	[sflag:s28] =	ssyncset.done @!p1 $0x0  }
0x48: {  	[sflag:s28] =	ssyncadd.s32 @!p1 $0xFFFFC000;
	s28 =	sadd.s32 $0x100, s6  }
0x49: {  	[tilespmem:s15], [sflag:$0x3] =	stream.indirect.gather [hbm4b:s3+s12], $0x80, s28, s12, $0xb8;
	[tilespmem:$0x1A400] =	vst v63  }
0x4a: {  	_ =	swait.ge [sflag:s16], $0x4000  }
0x4b: {  	[sflag:s16] =	ssyncset.done $0x0  }
0x4c: {  	s28 =	simm.s32 @!p1 $0x9;
	[sflag:s16] =	ssyncadd.s32 $0xFFFFC000  }
0x4d: {  	[hbm4b:s11+s2] =	stream.linear.scatter [tilespmem:s13], [sflag:$0x6], $0x4000, $0x38;
	[tilespmem:$0x1A400] =	vst v63  }
0x4e: {  	_ =	swait.ge @!p1 [sflag:s28], $0x4000  }
0x4f: {  	[sflag:s28] =	ssyncset.done @!p1 $0x0  }
0x50: {  	[sflag:s28] =	ssyncadd.s32 @!p1 $0xFFFFC000;
	s28 =	sadd.s32 $0x180, s6  }
0x51: {  	[tilespmem:s17], [sflag:$0x4] =	stream.indirect.gather [hbm4b:s3+s12], $0x80, s28, s12, $0xb8;
	[tilespmem:$0x1A400] =	vst v63  }
0x52: {  	_ =	swait.ge [sflag:s18], $0x4000  }
0x53: {  	[sflag:s18] =	ssyncset.done $0x0  }
0x54: {  	s28 =	simm.s32 @!p1 $0xA;
	[sflag:s18] =	ssyncadd.s32 $0xFFFFC000  }
0x55: {  	[hbm4b:s4+s2] =	stream.linear.scatter [tilespmem:s14], [sflag:$0x7], $0x4000, $0x38;
	[tilespmem:$0x1A400] =	vst v63  }
0x56: {  	_ =	swait.ge @!p1 [sflag:s28], $0x4000  }
0x57: {  	[sflag:s28] =	ssyncset.done @!p1 $0x0  }
0x58: {  	s6 =	sadd.s32 $0x200, s6;
	[sflag:s28] =	ssyncadd.s32 @!p1 $0xFFFFC000  }
0x59: {  	[tilespmem:s19], [sflag:$0x5] =	stream.indirect.gather [hbm4b:s3+s12], $0x80, s6, s12, $0xb8;
	[tilespmem:$0x1A400] =	vst v63  }
0x5a: {  	_ =	swait.ge [sflag:s20], $0x4000  }
0x5b: {  	[sflag:s20] =	ssyncset.done $0x0  }
0x5c: {  	[sflag:s20] =	ssyncadd.s32 $0xFFFFC000  }
0x5d: {  	[hbm4b:s0+s2] =	stream.linear.scatter [tilespmem:s15], [sflag:$0x8], $0x4000, $0x38;
	[tilespmem:$0x1A400] =	vst v63  }
0x5e: {  	p1 =	seq.s32 s1, $0x18600;
	_ =	swait.ge [sflag:s21], $0x4000  }
0x5f: {  	s1 =	sshra.s32 @!p1 s1, $0x2;
	s6 =	simm.s32 @!p1 $0x6400;
	[sflag:s21] =	ssyncset.done $0x0  }
0x60: {  	s25 =	simm.s32 @!p1 $0x80;
	s28 =	sadd.s32 @!p1 $0x280, s1;
	[sflag:s21] =	ssyncadd.s32 $0xFFFFC000  }
0x61: {  	[tilespmem:s6], [sflag:$0x1] =	stream.indirect.gather @!p1 [hbm4b:s3+s25], $0x80, s28, s25, $0xb8;
	[tilespmem:$0x1A400] =	vst v63  }
0x62: {  	s6 =	sadd.s32 @!p1 $0x300, s1;
	s1 =	smov.u32 s26;
	_ =	swait.ge [sflag:s22], $0x4000  }
0x63: {  	[sflag:s22] =	ssyncset.done $0x0  }
0x64: {  	[sflag:s22] =	ssyncadd.s32 $0xFFFFC000  }
0x65: {  	[hbm4b:s31+s2] =	stream.linear.scatter [tilespmem:s17], [sflag:$0x9], $0x4000, $0x38;
	[tilespmem:$0x1A400] =	vst v63  }
0x66: {  	_ =	swait.ge [sflag:s23], $0x4000  }
.Ltmp0:
0x67: {  	s4 =	sadd.s32 $0x2800, s4;
	[sflag:s23] =	ssyncset.done $0x0;
	(pc) =	sbr.rel @p0 .LBB2_2-.Ltmp0, $4  }
0x68: {  	s0 =	sadd.s32 $0x2800, s0;
	s26 =	simm.s32 @!p1 $0xA400;
	[sflag:s23] =	ssyncadd.s32 $0xFFFFC000  }
0x69: {  	[tilespmem:s26], [sflag:$0x2] =	stream.indirect.gather @!p1 [hbm4b:s3+s25], $0x80, s6, s25, $0xb8;
	[tilespmem:$0x1A400] =	vst v63  }
0x6a: {  	s30 =	sadd.s32 $0x2800, s30;
	s31 =	sadd.s32 $0x2800, s31;
	_ =	swait.ge [sflag:s24], $0x4000  }
0x6b: {  	s11 =	sadd.s32 $0x2800, s11;
	p1 =	seq.s32 s1, $0x0;
	[sflag:s24] =	ssyncset.done $0x0  }
0x6c: {  	s5 =	simm.s32 @!p1 $0x8;
	[sflag:s24] =	ssyncadd.s32 $0xFFFFC000  }
0x6d: {  	[hbm4b:s7+s2] =	stream.linear.scatter [tilespmem:s19], [sflag:$0xA], $0x4000, $0x38;
	[tilespmem:$0x1A400] =	vst v63  }
0x6e: {  	_ =	swait.ge @!p1 [sflag:s5], $0x4000  }
0x6f: {  	s6 =	sshra.s32 s1, $0x2;
	[sflag:s5] =	ssyncset.done @!p1 $0x0  }
0x70: {  	s7 =	sadd.s32 $0x100, s6;
	[sflag:s5] =	ssyncadd.s32 @!p1 $0xFFFFC000  }
0x71: {  	[tilespmem:s15], [sflag:$0x3] =	stream.indirect.gather [hbm4b:s3+s12], $0x80, s7, s12, $0xb8;
	[tilespmem:$0x1A400] =	vst v63  }
0x72: {  	_ =	swait.ge [sflag:s16], $0x4000  }
0x73: {  	[sflag:s16] =	ssyncset.done $0x0  }
0x74: {  	s5 =	simm.s32 @!p1 $0x9;
	[sflag:s16] =	ssyncadd.s32 $0xFFFFC000  }
0x75: {  	[hbm4b:s11+s2] =	stream.linear.scatter [tilespmem:s13], [sflag:$0x6], $0x4000, $0x38;
	[tilespmem:$0x1A400] =	vst v63  }
0x76: {  	_ =	swait.ge @!p1 [sflag:s5], $0x4000  }
0x77: {  	[sflag:s5] =	ssyncset.done @!p1 $0x0  }
0x78: {  	s11 =	sadd.s32 $0x180, s6;
	[sflag:s5] =	ssyncadd.s32 @!p1 $0xFFFFC000  }
0x79: {  	[tilespmem:s17], [sflag:$0x4] =	stream.indirect.gather [hbm4b:s3+s12], $0x80, s11, s12, $0xb8;
	[tilespmem:$0x1A400] =	vst v63  }
0x7a: {  	_ =	swait.ge [sflag:s18], $0x4000  }
0x7b: {  	[sflag:s18] =	ssyncset.done $0x0  }
0x7c: {  	[sflag:s18] =	ssyncadd.s32 $0xFFFFC000  }
0x7d: {  	[hbm4b:s4+s2] =	stream.linear.scatter [tilespmem:s14], [sflag:$0x7], $0x4000, $0x38;
	[tilespmem:$0x1A400] =	vst v63  }
0x7e: {  	s4 =	simm.s32 @!p1 $0xA  }
0x7f: {  	_ =	swait.ge @!p1 [sflag:s4], $0x4000  }
0x80: {  	[sflag:s4] =	ssyncset.done @!p1 $0x0  }
0x81: {  	s25 =	sadd.s32 $0x200, s6;
	[sflag:s4] =	ssyncadd.s32 @!p1 $0xFFFFC000  }
0x82: {  	[tilespmem:s19], [sflag:$0x5] =	stream.indirect.gather [hbm4b:s3+s12], $0x80, s25, s12, $0xb8;
	[tilespmem:$0x1A400] =	vst v63  }
0x83: {  	_ =	swait.ge [sflag:s20], $0x4000  }
0x84: {  	[sflag:s20] =	ssyncset.done $0x0  }
0x85: {  	[sflag:s20] =	ssyncadd.s32 $0xFFFFC000  }
0x86: {  	[hbm4b:s0+s2] =	stream.linear.scatter [tilespmem:s15], [sflag:$0x8], $0x4000, $0x38;
	[tilespmem:$0x1A400] =	vst v63  }
0x87: {  	p0 =	seq.s32 s1, $0x18600;
	_ =	swait.ge [sflag:s21], $0x4000  }
0x88: {  	s5 =	simm.s32 @!p0 $0x80;
	s0 =	sshra.s32 @!p0 s1, $0x2;
	[sflag:s21] =	ssyncset.done $0x0  }
0x89: {  	s1 =	simm.s32 @!p0 $0x6400;
	s4 =	sadd.s32 @!p0 $0x280, s0;
	[sflag:s21] =	ssyncadd.s32 $0xFFFFC000  }
0x8a: {  	[tilespmem:s1], [sflag:$0x1] =	stream.indirect.gather @!p0 [hbm4b:s3+s5], $0x80, s4, s5, $0xb8;
	[tilespmem:$0x1A400] =	vst v63  }
0x8b: {  	_ =	swait.ge [sflag:s22], $0x4000  }
0x8c: {  	[sflag:s22] =	ssyncset.done $0x0  }
0x8d: {  	[sflag:s22] =	ssyncadd.s32 $0xFFFFC000  }
0x8e: {  	[hbm4b:s31+s2] =	stream.linear.scatter [tilespmem:s17], [sflag:$0x9], $0x4000, $0x38;
	[tilespmem:$0x1A400] =	vst v63  }
0x8f: {  	_ =	swait.ge [sflag:s23], $0x4000  }
0x90: {  	[sflag:s23] =	ssyncset.done $0x0  }
0x91: {  	s0 =	sadd.s32 @!p0 $0x300, s0;
	s1 =	simm.s32 @!p0 $0xA400;
	[sflag:s23] =	ssyncadd.s32 $0xFFFFC000  }
0x92: {  	[tilespmem:s1], [sflag:$0x2] =	stream.indirect.gather @!p0 [hbm4b:s3+s5], $0x80, s0, s5, $0xb8;
	[tilespmem:$0x1A400] =	vst v63  }
0x93: {  	_ =	swait.ge [sflag:s24], $0x4000  }
0x94: {  	[sflag:s24] =	ssyncset.done $0x0  }
0x95: {  	s26 =	simm.s32 $0x8;
	[sflag:s24] =	ssyncadd.s32 $0xFFFFC000  }
0x96: {  	[hbm4b:s30+s2] =	stream.linear.scatter [tilespmem:s19], [sflag:$0xA], $0x4000, $0x38;
	[tilespmem:$0x1A400] =	vst v63  }
0x97: {  	_ =	swait.ge [sflag:s26], $0x4000  }
0x98: {  	[sflag:s26] =	ssyncset.done $0x0  }
0x99: {  	s28 =	simm.s32 $0x9;
	[sflag:s26] =	ssyncadd.s32 $0xFFFFC000  }
0x9a: {  	_ =	swait.ge [sflag:s28], $0x4000  }
0x9b: {  	[sflag:s28] =	ssyncset.done $0x0  }
0x9c: {  	s30 =	simm.s32 $0xA;
	[sflag:s28] =	ssyncadd.s32 $0xFFFFC000  }
0x9d: {  	_ =	swait.ge [sflag:s30], $0x4000  }
0x9e: {  	s29 =	sadd.s32 $0x1, s29;
	s31 =	rddreg [dreg:$0x4]  }
0x9f: {  	p0 =	sne.s32 s29, s31  }
.Ltmp1:
0xa0: {  	_ = 	snop;
	(pc) =	sbr.rel @p0 .LBB2_1-.Ltmp1, $3  }
0xa1: {  	_ =	sdelay $0x1  }
0xa2: {  	[sflag:s30] =	ssyncset.done $0x0  }
0xa3: {  	[sflag:s30] =	ssyncadd.s32 $0xFFFFC000  }
0xa4: {  	_ =	sfence.sel $0x180000  }
0xa5: {  	[bflag:$0x0] =	sbarrier.arrive $0xFFFF  }
0xa6: {  	_ =	strace $0x90000047  }
0xa7: {  	s0 =	stileid.u32;
	[bflag:$0x2] =	sbarrier.arrive $0xFFFF  }
0xa8: {  	p0 =	sne.s32 s0, $0x0;
	s0 =	rddreg [dreg:$0x2]  }
0xa9: {  	s0 =	sadd.s32 @!p0 $0x100000, s0  }
0xaa: {  	[sflag:s0] =	ssyncadd.tile.s32 @!p0 $0x1;
	_ =	shalt  }
.Lfunc_end2:
_tile_overlayer_lowered:
.L_overlay_start_2:
0xab: {  	(tag) =	ssettag $0x2  }
0xac: {  	s0 =	rddreg [dreg:$0x0];
	s2 =	stileid.u32  }
0xad: {  	s1 =	rddreg [dreg:$0x1];
	p0 =	sne.s32 s2, $0x0  }
0xae: {  	s3 =	rddreg [dreg:$0x2];
	[bflag:$0x3] =	sbarrier.arrive $0xFFFF;
	s2 =	simm.s32 @!p0 $0x1C0B  }
0xaf: {  	[timem:s3], [sflag:s2] =	dma.local @!p0 [hbm:s0], s1  }
0xb0: {  	s0 =	simm.s32 @!p0 $0xB  }
0xb1: {  	_ =	swait.ge @!p0 [sflag:s0], s1  }
0xb2: {  	s1 =	ssub.s32 @!p0 $0x0, s1;
	[sflag:s0] =	ssyncset.done @!p0 $0x0  }
0xb3: {  	[sflag:s0] =	ssyncadd.s32 @!p0 s1  }
0xb4: {  	[bflag:$0x3] =	sbarrier.arrive $0xFFFF  }
0xb5: {  	_ =	shalt  }

</sc_bundles>
